<compile_context>
chip_gen: v7x
topology: tpu7x:2x2x1
jax: 0.10.2.dev20260603
libtpu: 0.0.44.dev20260713+nightly
codegen_flags: <defaults>
</compile_context>

<pallas_src>
import functools

import jax
import jax.numpy as jnp
from jax import lax
from jax.experimental import pallas as pl
from jax.experimental.pallas import tpu as pltpu
from jax.experimental.pallas import tpu_sc as plsc

D = 64
B_ = 4096
S_ = 200

NW = 32
BPW = B_ // NW
CHUNK = 104
STEP = 96
CPW = 2 * BPW
NB = 4
LANES = 16


def _pos_encoding(seq_len, d_model):
    pos = jnp.arange(0, seq_len, dtype=jnp.float32)[:, None]
    dim = jnp.arange(0, d_model, dtype=jnp.float32)
    result = jnp.zeros((seq_len, d_model), dtype=jnp.float32)
    even = jnp.sin(pos / 10000 ** (dim[0::2] / d_model))
    odd = jnp.cos(pos / 10000 ** (dim[1::2] / d_model))
    result = result.at[:, 0::2].set(even)
    result = result.at[:, 1::2].set(odd)
    return result


@jax.jit
def kernel(x, table):
    pe = _pos_encoding(S_, D)

    mesh = plsc.VectorSubcoreMesh(core_axis_name="c", subcore_axis_name="s")

    scratch = [
        pltpu.VMEM((BPW, S_), jnp.int32),
        pltpu.VMEM((S_, D), jnp.float32),
    ]
    for _ in range(NB):
        scratch.append(pltpu.VMEM((CHUNK, D), jnp.float32))
    for _ in range(2 * NB):
        scratch.append(pltpu.SemaphoreType.DMA)

    @functools.partial(
        pl.kernel,
        out_type=jax.ShapeDtypeStruct((B_, S_, D), jnp.float32),
        mesh=mesh,
        scratch_types=scratch,
        compiler_params=pltpu.CompilerParams(use_tc_tiling_on_sc=False),
    )
    def run(x_hbm, table_hbm, pe_hbm, out_hbm, idx_v, pe_v, *rest):
        bufs = rest[:NB]
        gsem = rest[NB:2 * NB]
        ssem = rest[2 * NB:]

        wid = lax.axis_index("c") * 16 + lax.axis_index("s")
        batch0 = wid * BPW

        pltpu.sync_copy(x_hbm.at[pl.ds(batch0, BPW)], idx_v)
        pltpu.sync_copy(pe_hbm, pe_v)

        def issue_gather(g, half, b):
            idx = idx_v.at[g // 2, pl.ds(half * STEP, CHUNK)]
            pltpu.async_copy(table_hbm.at[idx], bufs[b], gsem[b])

        def wait_gather(g, half, b):
            idx = idx_v.at[g // 2, pl.ds(half * STEP, CHUNK)]
            pltpu.make_async_copy(table_hbm.at[idx], bufs[b], gsem[b]).wait()

        def issue_store(g, half, b):
            dst = out_hbm.at[batch0 + g // 2, pl.ds(half * STEP, CHUNK)]
            pltpu.async_copy(bufs[b], dst, ssem[b])

        def wait_store(b):
            dst = out_hbm.at[0, pl.ds(0, CHUNK)]
            pltpu.make_async_copy(bufs[b], dst, ssem[b]).wait()

        for b in range(NB - 1):
            issue_gather(b, b % 2, b)

        @pl.loop(0, CPW, step=NB)
        def chunk_group(g0):
            for b in range(NB):
                g = g0 + b
                half = b % 2
                wait_gather(g, half, b)
                pe_base = half * STEP

                @pl.loop(0, CHUNK)
                def add_pe(r):
                    for c in range(D // LANES):
                        slc = pl.ds(c * LANES, LANES)
                        plsc.addupdate(bufs[b].at[r, slc],
                                       pe_v[pe_base + r, slc])

                issue_store(g, half, b)

                f = g + (NB - 1)
                bf = (b + NB - 1) % NB

                @pl.when(f < CPW)
                def _():
                    @pl.when(g >= 1)
                    def _():
                        wait_store(bf)

                    issue_gather(f, (NB - 1 + b) % 2, bf)

        for b in range(NB):
            wait_store(b)

    return run(x, table, pe)

# --- scband reference (transcript-rebuilt; emitter-appended) ---
"""Pipeline reference for scband-embedding-52750788329569 (READ-ONLY COPY).

The authoritative reference and input builder live on the scoring server;
editing this copy changes nothing except your own understanding.
"""

import jax, jax.numpy as jnp
import numpy as np

VOCAB = 1000000
D_MODEL = 64
BATCH = 4096
SEQ = 200

def positional_encoding(seq_len, d_model):
    pos = jnp.arange(0, seq_len, dtype=jnp.float32)[:, None]
    dim = jnp.arange(0, d_model, dtype=jnp.float32)
    result = jnp.zeros((seq_len, d_model), dtype=jnp.float32)
    even = jnp.sin(pos / 10000 ** (dim[0::2] / d_model))
    odd = jnp.cos(pos / 10000 ** (dim[1::2] / d_model))
    result = result.at[:, 0::2].set(even)
    result = result.at[:, 1::2].set(odd)
    return result

def setup_inputs(seed: int = 0) -> dict:
    key = jax.random.key(seed)
    k1, k2 = jax.random.split(key)
    x = jax.random.randint(k1, (BATCH, SEQ), 0, VOCAB, dtype=jnp.int64 if jax.config.jax_enable_x64 else jnp.int32)
    table = jax.random.normal(k2, (VOCAB, D_MODEL), dtype=jnp.float32)
    return {"x": x, "table": table}

def reference(x, table):
    emb = jnp.take(table, x, axis=0)
    pe = positional_encoding(x.shape[1], table.shape[1])
    return emb + pe[None, :, :]

if __name__ == "__main__":
    import jax
    _d = setup_inputs()
    print(jax.jit(kernel)(*tuple(_d.values())))

</pallas_src>

<mosaic_0001>
#map = affine_map<(d0, d1) -> (0, 0)>
#map1 = affine_map<(d0, d1) -> (0, 0, 0)>
module attributes {stable_mosaic.version = 14 : i64} {
  func.func @run(%arg0: i32, %arg1: i32, %arg2: memref<4096x200xi32, #tpu.memory_space<hbm>>, %arg3: memref<1000000x64xf32, #tpu.memory_space<hbm>>, %arg4: memref<200x64xf32, #tpu.memory_space<hbm>>, %arg5: memref<4096x200x64xf32, #tpu.memory_space<hbm>>, %arg6: memref<128x200xi32, #tpu.memory_space<vmem>>, %arg7: memref<200x64xf32, #tpu.memory_space<vmem>>, %arg8: memref<104x64xf32, #tpu.memory_space<vmem>>, %arg9: memref<104x64xf32, #tpu.memory_space<vmem>>, %arg10: memref<104x64xf32, #tpu.memory_space<vmem>>, %arg11: memref<104x64xf32, #tpu.memory_space<vmem>>, %arg12: memref<!tpu.dma_semaphore, #tpu.memory_space<semaphore_mem>>, %arg13: memref<!tpu.dma_semaphore, #tpu.memory_space<semaphore_mem>>, %arg14: memref<!tpu.dma_semaphore, #tpu.memory_space<semaphore_mem>>, %arg15: memref<!tpu.dma_semaphore, #tpu.memory_space<semaphore_mem>>, %arg16: memref<!tpu.dma_semaphore, #tpu.memory_space<semaphore_mem>>, %arg17: memref<!tpu.dma_semaphore, #tpu.memory_space<semaphore_mem>>, %arg18: memref<!tpu.dma_semaphore, #tpu.memory_space<semaphore_mem>>, %arg19: memref<!tpu.dma_semaphore, #tpu.memory_space<semaphore_mem>>) attributes {dimension_semantics = [#tpu.dimension_semantics<core_parallel>, #tpu.dimension_semantics<subcore_parallel>], iteration_bounds = array<i64: 2, 16>, scalar_prefetch = 0 : i64, scratch_operands = 14 : i64, tpu.core_type = #tpu.core_type<sc_vector_subcore>, window_params = [{transform_indices = #map}, {transform_indices = #map}, {transform_indices = #map}, {transform_indices = #map1}]} {
    %mul3A = arith.constant 16 : i32
    %mul3A_0 = arith.muli %arg0, %mul3A : i32
    %add3A = arith.addi %mul3A_0, %arg1 : i32
    %mul3A_1 = arith.constant 128 : i32
    %mul3A_2 = arith.muli %add3A, %mul3A_1 : i32
    "tpu.region"() ({
      %run_scoped3A = tpu.sem_alloc : memref<!tpu.dma_semaphore, #tpu.memory_space<semaphore_mem>>
      %dma_start3A_62 = arith.constant 0 : i32
      %dma_start3A_63 = tpu.memref_slice %arg2[%mul3A_2, %dma_start3A_62] : memref<4096x200xi32, #tpu.memory_space<hbm>> -> memref<128x200xi32, #tpu.memory_space<hbm>>
      %dma_start3A_64 = arith.constant 0 : i32
      %dma_start3A_65 = tpu.memref_slice %arg2[%mul3A_2, %dma_start3A_64] : memref<4096x200xi32, #tpu.memory_space<hbm>> -> memref<128x200xi32, #tpu.memory_space<hbm>>
      tpu.enqueue_dma source(%dma_start3A_65 : memref<128x200xi32, #tpu.memory_space<hbm>>) target(%arg6 : memref<128x200xi32, #tpu.memory_space<vmem>>) target_semaphore(%run_scoped3A : memref<!tpu.dma_semaphore, #tpu.memory_space<semaphore_mem>>)
      %dma_wait3A_66 = arith.constant 0 : i32
      %dma_wait3A_67 = tpu.memref_slice %arg2[%mul3A_2, %dma_wait3A_66] : memref<4096x200xi32, #tpu.memory_space<hbm>> -> memref<128x200xi32, #tpu.memory_space<hbm>>
      %dma_wait3A_68 = arith.constant 0 : i32
      %dma_wait3A_69 = tpu.memref_slice %arg2[%mul3A_2, %dma_wait3A_68] : memref<4096x200xi32, #tpu.memory_space<hbm>> -> memref<128x200xi32, #tpu.memory_space<hbm>>
      tpu.wait_dma2 semaphore(%run_scoped3A : memref<!tpu.dma_semaphore, #tpu.memory_space<semaphore_mem>>) src(%dma_wait3A_69 : memref<128x200xi32, #tpu.memory_space<hbm>>) dst(%arg6 : memref<128x200xi32, #tpu.memory_space<vmem>>)
      tpu.yield
    }) : () -> ()
    "tpu.region"() ({
      %run_scoped3A = tpu.sem_alloc : memref<!tpu.dma_semaphore, #tpu.memory_space<semaphore_mem>>
      tpu.enqueue_dma source(%arg4 : memref<200x64xf32, #tpu.memory_space<hbm>>) target(%arg7 : memref<200x64xf32, #tpu.memory_space<vmem>>) target_semaphore(%run_scoped3A : memref<!tpu.dma_semaphore, #tpu.memory_space<semaphore_mem>>)
      tpu.wait_dma2 semaphore(%run_scoped3A : memref<!tpu.dma_semaphore, #tpu.memory_space<semaphore_mem>>) src(%arg4 : memref<200x64xf32, #tpu.memory_space<hbm>>) dst(%arg7 : memref<200x64xf32, #tpu.memory_space<vmem>>)
      tpu.yield
    }) : () -> ()
    %dma_start3A = arith.constant 0 : i32
    %dma_start3A_3 = arith.constant 0 : i32
    %dma_start3A_4 = tpu.memref_slice %arg6[%dma_start3A, %dma_start3A_3] : memref<128x200xi32, #tpu.memory_space<vmem>> -> memref<1x104xi32, #tpu.memory_space<vmem>>
    %dma_start3A_5 = tpu.memref_squeeze %dma_start3A_4 : memref<1x104xi32, #tpu.memory_space<vmem>> -> memref<104xi32, #tpu.memory_space<vmem>>
    %dma_start3A_6 = arith.constant 0 : i32
    %dma_start3A_7 = arith.constant 0 : i32
    %dma_start3A_8 = tpu.memref_slice %arg3[%dma_start3A_6, %dma_start3A_7] : memref<1000000x64xf32, #tpu.memory_space<hbm>> -> memref<1000000x64xf32, #tpu.memory_space<hbm>>
    tpu.enqueue_indirect_dma source(%dma_start3A_8 : memref<1000000x64xf32, #tpu.memory_space<hbm>>) target(%arg8 : memref<104x64xf32, #tpu.memory_space<vmem>>) offsets(%dma_start3A_5 : memref<104xi32, #tpu.memory_space<vmem>>) semaphore(%arg12 : memref<!tpu.dma_semaphore, #tpu.memory_space<semaphore_mem>>)
    %dma_start3A_9 = arith.constant 0 : i32
    %dma_start3A_10 = arith.constant 96 : i32
    %dma_start3A_11 = tpu.memref_slice %arg6[%dma_start3A_9, %dma_start3A_10] : memref<128x200xi32, #tpu.memory_space<vmem>> -> memref<1x104xi32, #tpu.memory_space<vmem>>
    %dma_start3A_12 = tpu.memref_squeeze %dma_start3A_11 : memref<1x104xi32, #tpu.memory_space<vmem>> -> memref<104xi32, #tpu.memory_space<vmem>>
    %dma_start3A_13 = arith.constant 0 : i32
    %dma_start3A_14 = arith.constant 0 : i32
    %dma_start3A_15 = tpu.memref_slice %arg3[%dma_start3A_13, %dma_start3A_14] : memref<1000000x64xf32, #tpu.memory_space<hbm>> -> memref<1000000x64xf32, #tpu.memory_space<hbm>>
    tpu.enqueue_indirect_dma source(%dma_start3A_15 : memref<1000000x64xf32, #tpu.memory_space<hbm>>) target(%arg9 : memref<104x64xf32, #tpu.memory_space<vmem>>) offsets(%dma_start3A_12 : memref<104xi32, #tpu.memory_space<vmem>>) semaphore(%arg13 : memref<!tpu.dma_semaphore, #tpu.memory_space<semaphore_mem>>)
    %dma_start3A_16 = arith.constant 1 : i32
    %dma_start3A_17 = arith.constant 0 : i32
    %dma_start3A_18 = tpu.memref_slice %arg6[%dma_start3A_16, %dma_start3A_17] : memref<128x200xi32, #tpu.memory_space<vmem>> -> memref<1x104xi32, #tpu.memory_space<vmem>>
    %dma_start3A_19 = tpu.memref_squeeze %dma_start3A_18 : memref<1x104xi32, #tpu.memory_space<vmem>> -> memref<104xi32, #tpu.memory_space<vmem>>
    %dma_start3A_20 = arith.constant 0 : i32
    %dma_start3A_21 = arith.constant 0 : i32
    %dma_start3A_22 = tpu.memref_slice %arg3[%dma_start3A_20, %dma_start3A_21] : memref<1000000x64xf32, #tpu.memory_space<hbm>> -> memref<1000000x64xf32, #tpu.memory_space<hbm>>
    tpu.enqueue_indirect_dma source(%dma_start3A_22 : memref<1000000x64xf32, #tpu.memory_space<hbm>>) target(%arg10 : memref<104x64xf32, #tpu.memory_space<vmem>>) offsets(%dma_start3A_19 : memref<104xi32, #tpu.memory_space<vmem>>) semaphore(%arg14 : memref<!tpu.dma_semaphore, #tpu.memory_space<semaphore_mem>>)
    %scan3A = arith.constant 0 : i32
    %scan3A_23 = arith.constant 64 : i32
    %scan3A_24 = arith.addi %scan3A, %scan3A_23 : i32
    %scan3A_25 = arith.constant 1 : i32
    scf.for %scan3A_62 = %scan3A to %scan3A_24 step %scan3A_25  : i32 {
      %mul3A_63 = arith.constant 4 : i32
      %mul3A_64 = arith.muli %scan3A_62, %mul3A_63 : i32
      %add3A_65 = arith.constant 0 : i32
      %add3A_66 = arith.addi %add3A_65, %mul3A_64 : i32
      %add3A_67 = arith.constant 0 : i32
      %add3A_68 = arith.addi %add3A_66, %add3A_67 : i32
      %jit3A = arith.constant 2 : i32
      %div3A = arith.divsi %add3A_68, %jit3A : i32
      %sign3A = arith.constant 0 : i32
      %sign3A_69 = arith.cmpi sgt, %add3A_68, %sign3A : i32
      %sign3A_70 = arith.extui %sign3A_69 : i1 to i32
      %sign3A_71 = arith.constant 0 : i32
      %sign3A_72 = arith.cmpi slt, %add3A_68, %sign3A_71 : i32
      %sign3A_73 = arith.extui %sign3A_72 : i1 to i32
      %sign3A_74 = arith.subi %sign3A_70, %sign3A_73 : i32
      %sign3A_75 = arith.constant 0 : i32
      %sign3A_76 = arith.cmpi sgt, %jit3A, %sign3A_75 : i32
      %sign3A_77 = arith.extui %sign3A_76 : i1 to i32
      %sign3A_78 = arith.constant 0 : i32
      %sign3A_79 = arith.cmpi slt, %jit3A, %sign3A_78 : i32
      %sign3A_80 = arith.extui %sign3A_79 : i1 to i32
      %sign3A_81 = arith.subi %sign3A_77, %sign3A_80 : i32
      %ne3A = arith.cmpi ne, %sign3A_74, %sign3A_81 : i32
      %rem3A = arith.remsi %add3A_68, %jit3A : i32
      %ne3A_82 = arith.constant 0 : i32
      %ne3A_83 = arith.cmpi ne, %rem3A, %ne3A_82 : i32
      %and3A = arith.andi %ne3A, %ne3A_83 : i1
      %sub3A = arith.constant 1 : i32
      %sub3A_84 = arith.subi %div3A, %sub3A : i32
      %select_n3A = arith.select %and3A, %sub3A_84, %div3A : i32
      %dma_wait3A_85 = arith.constant 0 : i32
      %dma_wait3A_86 = tpu.memref_slice %arg6[%select_n3A, %dma_wait3A_85] : memref<128x200xi32, #tpu.memory_space<vmem>> -> memref<1x104xi32, #tpu.memory_space<vmem>>
      %dma_wait3A_87 = tpu.memref_squeeze %dma_wait3A_86 : memref<1x104xi32, #tpu.memory_space<vmem>> -> memref<104xi32, #tpu.memory_space<vmem>>
      %dma_wait3A_88 = arith.constant 0 : i32
      %dma_wait3A_89 = arith.constant 0 : i32
      %dma_wait3A_90 = tpu.memref_slice %arg3[%dma_wait3A_88, %dma_wait3A_89] : memref<1000000x64xf32, #tpu.memory_space<hbm>> -> memref<1000000x64xf32, #tpu.memory_space<hbm>>
      tpu.wait_indirect_dma semaphore(%arg12 : memref<!tpu.dma_semaphore, #tpu.memory_space<semaphore_mem>>) src(%dma_wait3A_90 : memref<1000000x64xf32, #tpu.memory_space<hbm>>) dst(%arg8 : memref<104x64xf32, #tpu.memory_space<vmem>>)
      %scan3A_91 = arith.constant 0 : i32
      %scan3A_92 = arith.constant 104 : i32
      %scan3A_93 = arith.addi %scan3A_91, %scan3A_92 : i32
      %scan3A_94 = arith.constant 1 : i32
      scf.for %scan3A_364 = %scan3A_91 to %scan3A_93 step %scan3A_94  : i32 {
        %mul3A_365 = arith.constant 1 : i32
        %mul3A_366 = arith.muli %scan3A_364, %mul3A_365 : i32
        %add3A_367 = arith.constant 0 : i32
        %add3A_368 = arith.addi %add3A_367, %mul3A_366 : i32
        %add3A_369 = arith.constant 0 : i32
        %add3A_370 = arith.addi %add3A_369, %add3A_368 : i32
        %get3A = arith.index_cast %add3A_370 : i32 to index
        %get3A_371 = arith.constant 0 : index
        %get3A_372 = tpu.vector_load %arg7[%get3A, %get3A_371] {strides = array<i32>} : memref<200x64xf32, #tpu.memory_space<vmem>>, vector<1x16xf32>,
        %get3A_373 = vector.shape_cast %get3A_372 : vector<1x16xf32> to vector<16xf32>
        %swap3A = arith.index_cast %add3A_368 : i32 to index
        %swap3A_374 = arith.constant 0 : index
        %swap3A_375 = tpu.vector_load %arg8[%swap3A, %swap3A_374] {strides = array<i32>} : memref<104x64xf32, #tpu.memory_space<vmem>>, vector<1x16xf32>,
        %swap3A_376 = vector.shape_cast %swap3A_375 : vector<1x16xf32> to vector<16xf32>
        %swap3A_377 = vector.shape_cast %get3A_373 : vector<16xf32> to vector<1x16xf32>
        tpu.vector_store %arg8[%swap3A, %swap3A_374], %swap3A_377 {add = true, strides = array<i32>} : memref<104x64xf32, #tpu.memory_space<vmem>>, vector<1x16xf32>,
        %add3A_378 = arith.constant 0 : i32
        %add3A_379 = arith.addi %add3A_378, %add3A_368 : i32
        %get3A_380 = arith.index_cast %add3A_379 : i32 to index
        %get3A_381 = arith.constant 16 : index
        %get3A_382 = tpu.vector_load %arg7[%get3A_380, %get3A_381] {strides = array<i32>} : memref<200x64xf32, #tpu.memory_space<vmem>>, vector<1x16xf32>,
        %get3A_383 = vector.shape_cast %get3A_382 : vector<1x16xf32> to vector<16xf32>
        %swap3A_384 = arith.index_cast %add3A_368 : i32 to index
        %swap3A_385 = arith.constant 16 : index
        %swap3A_386 = tpu.vector_load %arg8[%swap3A_384, %swap3A_385] {strides = array<i32>} : memref<104x64xf32, #tpu.memory_space<vmem>>, vector<1x16xf32>,
        %swap3A_387 = vector.shape_cast %swap3A_386 : vector<1x16xf32> to vector<16xf32>
        %swap3A_388 = vector.shape_cast %get3A_383 : vector<16xf32> to vector<1x16xf32>
        tpu.vector_store %arg8[%swap3A_384, %swap3A_385], %swap3A_388 {add = true, strides = array<i32>} : memref<104x64xf32, #tpu.memory_space<vmem>>, vector<1x16xf32>,
        %add3A_389 = arith.constant 0 : i32
        %add3A_390 = arith.addi %add3A_389, %add3A_368 : i32
        %get3A_391 = arith.index_cast %add3A_390 : i32 to index
        %get3A_392 = arith.constant 32 : index
        %get3A_393 = tpu.vector_load %arg7[%get3A_391, %get3A_392] {strides = array<i32>} : memref<200x64xf32, #tpu.memory_space<vmem>>, vector<1x16xf32>,
        %get3A_394 = vector.shape_cast %get3A_393 : vector<1x16xf32> to vector<16xf32>
        %swap3A_395 = arith.index_cast %add3A_368 : i32 to index
        %swap3A_396 = arith.constant 32 : index
        %swap3A_397 = tpu.vector_load %arg8[%swap3A_395, %swap3A_396] {strides = array<i32>} : memref<104x64xf32, #tpu.memory_space<vmem>>, vector<1x16xf32>,
        %swap3A_398 = vector.shape_cast %swap3A_397 : vector<1x16xf32> to vector<16xf32>
        %swap3A_399 = vector.shape_cast %get3A_394 : vector<16xf32> to vector<1x16xf32>
        tpu.vector_store %arg8[%swap3A_395, %swap3A_396], %swap3A_399 {add = true, strides = array<i32>} : memref<104x64xf32, #tpu.memory_space<vmem>>, vector<1x16xf32>,
        %add3A_400 = arith.constant 0 : i32
        %add3A_401 = arith.addi %add3A_400, %add3A_368 : i32
        %get3A_402 = arith.index_cast %add3A_401 : i32 to index
        %get3A_403 = arith.constant 48 : index
        %get3A_404 = tpu.vector_load %arg7[%get3A_402, %get3A_403] {strides = array<i32>} : memref<200x64xf32, #tpu.memory_space<vmem>>, vector<1x16xf32>,
        %get3A_405 = vector.shape_cast %get3A_404 : vector<1x16xf32> to vector<16xf32>
        %swap3A_406 = arith.index_cast %add3A_368 : i32 to index
        %swap3A_407 = arith.constant 48 : index
        %swap3A_408 = tpu.vector_load %arg8[%swap3A_406, %swap3A_407] {strides = array<i32>} : memref<104x64xf32, #tpu.memory_space<vmem>>, vector<1x16xf32>,
        %swap3A_409 = vector.shape_cast %swap3A_408 : vector<1x16xf32> to vector<16xf32>
        %swap3A_410 = vector.shape_cast %get3A_405 : vector<16xf32> to vector<1x16xf32>
        tpu.vector_store %arg8[%swap3A_406, %swap3A_407], %swap3A_410 {add = true, strides = array<i32>} : memref<104x64xf32, #tpu.memory_space<vmem>>, vector<1x16xf32>,
      }
      %scan3A_95 = arith.constant 104 : i32
      %jit3A_96 = arith.constant 2 : i32
      %div3A_97 = arith.divsi %add3A_68, %jit3A_96 : i32
      %sign3A_98 = arith.constant 0 : i32
      %sign3A_99 = arith.cmpi sgt, %add3A_68, %sign3A_98 : i32
      %sign3A_100 = arith.extui %sign3A_99 : i1 to i32
      %sign3A_101 = arith.constant 0 : i32
      %sign3A_102 = arith.cmpi slt, %add3A_68, %sign3A_101 : i32
      %sign3A_103 = arith.extui %sign3A_102 : i1 to i32
      %sign3A_104 = arith.subi %sign3A_100, %sign3A_103 : i32
      %sign3A_105 = arith.constant 0 : i32
      %sign3A_106 = arith.cmpi sgt, %jit3A_96, %sign3A_105 : i32
      %sign3A_107 = arith.extui %sign3A_106 : i1 to i32
      %sign3A_108 = arith.constant 0 : i32
      %sign3A_109 = arith.cmpi slt, %jit3A_96, %sign3A_108 : i32
      %sign3A_110 = arith.extui %sign3A_109 : i1 to i32
      %sign3A_111 = arith.subi %sign3A_107, %sign3A_110 : i32
      %ne3A_112 = arith.cmpi ne, %sign3A_104, %sign3A_111 : i32
      %rem3A_113 = arith.remsi %add3A_68, %jit3A_96 : i32
      %ne3A_114 = arith.constant 0 : i32
      %ne3A_115 = arith.cmpi ne, %rem3A_113, %ne3A_114 : i32
      %and3A_116 = arith.andi %ne3A_112, %ne3A_115 : i1
      %sub3A_117 = arith.constant 1 : i32
      %sub3A_118 = arith.subi %div3A_97, %sub3A_117 : i32
      %select_n3A_119 = arith.select %and3A_116, %sub3A_118, %div3A_97 : i32
      %add3A_120 = arith.addi %mul3A_2, %select_n3A_119 : i32
      %dma_start3A_121 = arith.constant 0 : i32
      %dma_start3A_122 = arith.constant 0 : i32
      %dma_start3A_123 = tpu.memref_slice %arg5[%add3A_120, %dma_start3A_121, %dma_start3A_122] : memref<4096x200x64xf32, #tpu.memory_space<hbm>> -> memref<1x104x64xf32, #tpu.memory_space<hbm>>
      %dma_start3A_124 = tpu.memref_squeeze %dma_start3A_123 : memref<1x104x64xf32, #tpu.memory_space<hbm>> -> memref<104x64xf32, #tpu.memory_space<hbm>>
      %dma_start3A_125 = arith.constant 0 : i32
      %dma_start3A_126 = arith.constant 0 : i32
      %dma_start3A_127 = tpu.memref_slice %arg5[%add3A_120, %dma_start3A_125, %dma_start3A_126] : memref<4096x200x64xf32, #tpu.memory_space<hbm>> -> memref<1x104x64xf32, #tpu.memory_space<hbm>>
      %dma_start3A_128 = tpu.memref_squeeze %dma_start3A_127 : memref<1x104x64xf32, #tpu.memory_space<hbm>> -> memref<104x64xf32, #tpu.memory_space<hbm>>
      tpu.enqueue_dma source(%arg8 : memref<104x64xf32, #tpu.memory_space<vmem>>) target(%dma_start3A_128 : memref<104x64xf32, #tpu.memory_space<hbm>>) target_semaphore(%arg16 : memref<!tpu.dma_semaphore, #tpu.memory_space<semaphore_mem>>)
      %add3A_129 = arith.constant 3 : i32
      %add3A_130 = arith.addi %add3A_68, %add3A_129 : i32
      %lt3A = arith.constant 256 : i32
      %lt3A_131 = arith.cmpi slt, %add3A_130, %lt3A : i32
      %convert_element_type3A = arith.extui %lt3A_131 : i1 to i32
      %cond3A = arith.constant 0 : i32
      %cond3A_132 = arith.cmpi ne, %convert_element_type3A, %cond3A : i32
      scf.if %cond3A_132 {
        %ge3A = arith.constant 1 : i32
        %ge3A_364 = arith.cmpi sge, %add3A_68, %ge3A : i32
        %convert_element_type3A_365 = arith.extui %ge3A_364 : i1 to i32
        %cond3A_366 = arith.constant 0 : i32
        %cond3A_367 = arith.cmpi ne, %convert_element_type3A_365, %cond3A_366 : i32
        scf.if %cond3A_367 {
          %dma_wait3A_398 = arith.constant 0 : i32
          %dma_wait3A_399 = arith.constant 0 : i32
          %dma_wait3A_400 = arith.constant 0 : i32
          %dma_wait3A_401 = tpu.memref_slice %arg5[%dma_wait3A_398, %dma_wait3A_399, %dma_wait3A_400] : memref<4096x200x64xf32, #tpu.memory_space<hbm>> -> memref<1x104x64xf32, #tpu.memory_space<hbm>>
          %dma_wait3A_402 = tpu.memref_squeeze %dma_wait3A_401 : memref<1x104x64xf32, #tpu.memory_space<hbm>> -> memref<104x64xf32, #tpu.memory_space<hbm>>
          %dma_wait3A_403 = arith.constant 0 : i32
          %dma_wait3A_404 = arith.constant 0 : i32
          %dma_wait3A_405 = tpu.memref_slice %arg5[%dma_wait3A_398, %dma_wait3A_403, %dma_wait3A_404] : memref<4096x200x64xf32, #tpu.memory_space<hbm>> -> memref<1x104x64xf32, #tpu.memory_space<hbm>>
          %dma_wait3A_406 = tpu.memref_squeeze %dma_wait3A_405 : memref<1x104x64xf32, #tpu.memory_space<hbm>> -> memref<104x64xf32, #tpu.memory_space<hbm>>
          tpu.wait_dma2 semaphore(%arg19 : memref<!tpu.dma_semaphore, #tpu.memory_space<semaphore_mem>>) src(%arg11 : memref<104x64xf32, #tpu.memory_space<vmem>>) dst(%dma_wait3A_406 : memref<104x64xf32, #tpu.memory_space<hbm>>)
        } else {
        }
        %jit3A_368 = arith.constant 2 : i32
        %div3A_369 = arith.divsi %add3A_130, %jit3A_368 : i32
        %sign3A_370 = arith.constant 0 : i32
        %sign3A_371 = arith.cmpi sgt, %add3A_130, %sign3A_370 : i32
        %sign3A_372 = arith.extui %sign3A_371 : i1 to i32
        %sign3A_373 = arith.constant 0 : i32
        %sign3A_374 = arith.cmpi slt, %add3A_130, %sign3A_373 : i32
        %sign3A_375 = arith.extui %sign3A_374 : i1 to i32
        %sign3A_376 = arith.subi %sign3A_372, %sign3A_375 : i32
        %sign3A_377 = arith.constant 0 : i32
        %sign3A_378 = arith.cmpi sgt, %jit3A_368, %sign3A_377 : i32
        %sign3A_379 = arith.extui %sign3A_378 : i1 to i32
        %sign3A_380 = arith.constant 0 : i32
        %sign3A_381 = arith.cmpi slt, %jit3A_368, %sign3A_380 : i32
        %sign3A_382 = arith.extui %sign3A_381 : i1 to i32
        %sign3A_383 = arith.subi %sign3A_379, %sign3A_382 : i32
        %ne3A_384 = arith.cmpi ne, %sign3A_376, %sign3A_383 : i32
        %rem3A_385 = arith.remsi %add3A_130, %jit3A_368 : i32
        %ne3A_386 = arith.constant 0 : i32
        %ne3A_387 = arith.cmpi ne, %rem3A_385, %ne3A_386 : i32
        %and3A_388 = arith.andi %ne3A_384, %ne3A_387 : i1
        %sub3A_389 = arith.constant 1 : i32
        %sub3A_390 = arith.subi %div3A_369, %sub3A_389 : i32
        %select_n3A_391 = arith.select %and3A_388, %sub3A_390, %div3A_369 : i32
        %dma_start3A_392 = arith.constant 96 : i32
        %dma_start3A_393 = tpu.memref_slice %arg6[%select_n3A_391, %dma_start3A_392] : memref<128x200xi32, #tpu.memory_space<vmem>> -> memref<1x104xi32, #tpu.memory_space<vmem>>
        %dma_start3A_394 = tpu.memref_squeeze %dma_start3A_393 : memref<1x104xi32, #tpu.memory_space<vmem>> -> memref<104xi32, #tpu.memory_space<vmem>>
        %dma_start3A_395 = arith.constant 0 : i32
        %dma_start3A_396 = arith.constant 0 : i32
        %dma_start3A_397 = tpu.memref_slice %arg3[%dma_start3A_395, %dma_start3A_396] : memref<1000000x64xf32, #tpu.memory_space<hbm>> -> memref<1000000x64xf32, #tpu.memory_space<hbm>>
        tpu.enqueue_indirect_dma source(%dma_start3A_397 : memref<1000000x64xf32, #tpu.memory_space<hbm>>) target(%arg11 : memref<104x64xf32, #tpu.memory_space<vmem>>) offsets(%dma_start3A_394 : memref<104xi32, #tpu.memory_space<vmem>>) semaphore(%arg15 : memref<!tpu.dma_semaphore, #tpu.memory_space<semaphore_mem>>)
      } else {
      }
      %add3A_133 = arith.constant 1 : i32
      %add3A_134 = arith.addi %add3A_66, %add3A_133 : i32
      %jit3A_135 = arith.constant 2 : i32
      %div3A_136 = arith.divsi %add3A_134, %jit3A_135 : i32
      %sign3A_137 = arith.constant 0 : i32
      %sign3A_138 = arith.cmpi sgt, %add3A_134, %sign3A_137 : i32
      %sign3A_139 = arith.extui %sign3A_138 : i1 to i32
      %sign3A_140 = arith.constant 0 : i32
      %sign3A_141 = arith.cmpi slt, %add3A_134, %sign3A_140 : i32
      %sign3A_142 = arith.extui %sign3A_141 : i1 to i32
      %sign3A_143 = arith.subi %sign3A_139, %sign3A_142 : i32
      %sign3A_144 = arith.constant 0 : i32
      %sign3A_145 = arith.cmpi sgt, %jit3A_135, %sign3A_144 : i32
      %sign3A_146 = arith.extui %sign3A_145 : i1 to i32
      %sign3A_147 = arith.constant 0 : i32
      %sign3A_148 = arith.cmpi slt, %jit3A_135, %sign3A_147 : i32
      %sign3A_149 = arith.extui %sign3A_148 : i1 to i32
      %sign3A_150 = arith.subi %sign3A_146, %sign3A_149 : i32
      %ne3A_151 = arith.cmpi ne, %sign3A_143, %sign3A_150 : i32
      %rem3A_152 = arith.remsi %add3A_134, %jit3A_135 : i32
      %ne3A_153 = arith.constant 0 : i32
      %ne3A_154 = arith.cmpi ne, %rem3A_152, %ne3A_153 : i32
      %and3A_155 = arith.andi %ne3A_151, %ne3A_154 : i1
      %sub3A_156 = arith.constant 1 : i32
      %sub3A_157 = arith.subi %div3A_136, %sub3A_156 : i32
      %select_n3A_158 = arith.select %and3A_155, %sub3A_157, %div3A_136 : i32
      %dma_wait3A_159 = arith.constant 96 : i32
      %dma_wait3A_160 = tpu.memref_slice %arg6[%select_n3A_158, %dma_wait3A_159] : memref<128x200xi32, #tpu.memory_space<vmem>> -> memref<1x104xi32, #tpu.memory_space<vmem>>
      %dma_wait3A_161 = tpu.memref_squeeze %dma_wait3A_160 : memref<1x104xi32, #tpu.memory_space<vmem>> -> memref<104xi32, #tpu.memory_space<vmem>>
      %dma_wait3A_162 = arith.constant 0 : i32
      %dma_wait3A_163 = arith.constant 0 : i32
      %dma_wait3A_164 = tpu.memref_slice %arg3[%dma_wait3A_162, %dma_wait3A_163] : memref<1000000x64xf32, #tpu.memory_space<hbm>> -> memref<1000000x64xf32, #tpu.memory_space<hbm>>
      tpu.wait_indirect_dma semaphore(%arg13 : memref<!tpu.dma_semaphore, #tpu.memory_space<semaphore_mem>>) src(%dma_wait3A_164 : memref<1000000x64xf32, #tpu.memory_space<hbm>>) dst(%arg9 : memref<104x64xf32, #tpu.memory_space<vmem>>)
      %scan3A_165 = arith.constant 0 : i32
      %scan3A_166 = arith.constant 104 : i32
      %scan3A_167 = arith.addi %scan3A_165, %scan3A_166 : i32
      %scan3A_168 = arith.constant 1 : i32
      scf.for %scan3A_364 = %scan3A_165 to %scan3A_167 step %scan3A_168  : i32 {
        %mul3A_365 = arith.constant 1 : i32
        %mul3A_366 = arith.muli %scan3A_364, %mul3A_365 : i32
        %add3A_367 = arith.constant 0 : i32
        %add3A_368 = arith.addi %add3A_367, %mul3A_366 : i32
        %add3A_369 = arith.constant 96 : i32
        %add3A_370 = arith.addi %add3A_369, %add3A_368 : i32
        %get3A = arith.index_cast %add3A_370 : i32 to index
        %get3A_371 = arith.constant 0 : index
        %get3A_372 = tpu.vector_load %arg7[%get3A, %get3A_371] {strides = array<i32>} : memref<200x64xf32, #tpu.memory_space<vmem>>, vector<1x16xf32>,
        %get3A_373 = vector.shape_cast %get3A_372 : vector<1x16xf32> to vector<16xf32>
        %swap3A = arith.index_cast %add3A_368 : i32 to index
        %swap3A_374 = arith.constant 0 : index
        %swap3A_375 = tpu.vector_load %arg9[%swap3A, %swap3A_374] {strides = array<i32>} : memref<104x64xf32, #tpu.memory_space<vmem>>, vector<1x16xf32>,
        %swap3A_376 = vector.shape_cast %swap3A_375 : vector<1x16xf32> to vector<16xf32>
        %swap3A_377 = vector.shape_cast %get3A_373 : vector<16xf32> to vector<1x16xf32>
        tpu.vector_store %arg9[%swap3A, %swap3A_374], %swap3A_377 {add = true, strides = array<i32>} : memref<104x64xf32, #tpu.memory_space<vmem>>, vector<1x16xf32>,
        %add3A_378 = arith.constant 96 : i32
        %add3A_379 = arith.addi %add3A_378, %add3A_368 : i32
        %get3A_380 = arith.index_cast %add3A_379 : i32 to index
        %get3A_381 = arith.constant 16 : index
        %get3A_382 = tpu.vector_load %arg7[%get3A_380, %get3A_381] {strides = array<i32>} : memref<200x64xf32, #tpu.memory_space<vmem>>, vector<1x16xf32>,
        %get3A_383 = vector.shape_cast %get3A_382 : vector<1x16xf32> to vector<16xf32>
        %swap3A_384 = arith.index_cast %add3A_368 : i32 to index
        %swap3A_385 = arith.constant 16 : index
        %swap3A_386 = tpu.vector_load %arg9[%swap3A_384, %swap3A_385] {strides = array<i32>} : memref<104x64xf32, #tpu.memory_space<vmem>>, vector<1x16xf32>,
        %swap3A_387 = vector.shape_cast %swap3A_386 : vector<1x16xf32> to vector<16xf32>
        %swap3A_388 = vector.shape_cast %get3A_383 : vector<16xf32> to vector<1x16xf32>
        tpu.vector_store %arg9[%swap3A_384, %swap3A_385], %swap3A_388 {add = true, strides = array<i32>} : memref<104x64xf32, #tpu.memory_space<vmem>>, vector<1x16xf32>,
        %add3A_389 = arith.constant 96 : i32
        %add3A_390 = arith.addi %add3A_389, %add3A_368 : i32
        %get3A_391 = arith.index_cast %add3A_390 : i32 to index
        %get3A_392 = arith.constant 32 : index
        %get3A_393 = tpu.vector_load %arg7[%get3A_391, %get3A_392] {strides = array<i32>} : memref<200x64xf32, #tpu.memory_space<vmem>>, vector<1x16xf32>,
        %get3A_394 = vector.shape_cast %get3A_393 : vector<1x16xf32> to vector<16xf32>
        %swap3A_395 = arith.index_cast %add3A_368 : i32 to index
        %swap3A_396 = arith.constant 32 : index
        %swap3A_397 = tpu.vector_load %arg9[%swap3A_395, %swap3A_396] {strides = array<i32>} : memref<104x64xf32, #tpu.memory_space<vmem>>, vector<1x16xf32>,
        %swap3A_398 = vector.shape_cast %swap3A_397 : vector<1x16xf32> to vector<16xf32>
        %swap3A_399 = vector.shape_cast %get3A_394 : vector<16xf32> to vector<1x16xf32>
        tpu.vector_store %arg9[%swap3A_395, %swap3A_396], %swap3A_399 {add = true, strides = array<i32>} : memref<104x64xf32, #tpu.memory_space<vmem>>, vector<1x16xf32>,
        %add3A_400 = arith.constant 96 : i32
        %add3A_401 = arith.addi %add3A_400, %add3A_368 : i32
        %get3A_402 = arith.index_cast %add3A_401 : i32 to index
        %get3A_403 = arith.constant 48 : index
        %get3A_404 = tpu.vector_load %arg7[%get3A_402, %get3A_403] {strides = array<i32>} : memref<200x64xf32, #tpu.memory_space<vmem>>, vector<1x16xf32>,
        %get3A_405 = vector.shape_cast %get3A_404 : vector<1x16xf32> to vector<16xf32>
        %swap3A_406 = arith.index_cast %add3A_368 : i32 to index
        %swap3A_407 = arith.constant 48 : index
        %swap3A_408 = tpu.vector_load %arg9[%swap3A_406, %swap3A_407] {strides = array<i32>} : memref<104x64xf32, #tpu.memory_space<vmem>>, vector<1x16xf32>,
        %swap3A_409 = vector.shape_cast %swap3A_408 : vector<1x16xf32> to vector<16xf32>
        %swap3A_410 = vector.shape_cast %get3A_405 : vector<16xf32> to vector<1x16xf32>
        tpu.vector_store %arg9[%swap3A_406, %swap3A_407], %swap3A_410 {add = true, strides = array<i32>} : memref<104x64xf32, #tpu.memory_space<vmem>>, vector<1x16xf32>,
      }
      %scan3A_169 = arith.constant 104 : i32
      %jit3A_170 = arith.constant 2 : i32
      %div3A_171 = arith.divsi %add3A_134, %jit3A_170 : i32
      %sign3A_172 = arith.constant 0 : i32
      %sign3A_173 = arith.cmpi sgt, %add3A_134, %sign3A_172 : i32
      %sign3A_174 = arith.extui %sign3A_173 : i1 to i32
      %sign3A_175 = arith.constant 0 : i32
      %sign3A_176 = arith.cmpi slt, %add3A_134, %sign3A_175 : i32
      %sign3A_177 = arith.extui %sign3A_176 : i1 to i32
      %sign3A_178 = arith.subi %sign3A_174, %sign3A_177 : i32
      %sign3A_179 = arith.constant 0 : i32
      %sign3A_180 = arith.cmpi sgt, %jit3A_170, %sign3A_179 : i32
      %sign3A_181 = arith.extui %sign3A_180 : i1 to i32
      %sign3A_182 = arith.constant 0 : i32
      %sign3A_183 = arith.cmpi slt, %jit3A_170, %sign3A_182 : i32
      %sign3A_184 = arith.extui %sign3A_183 : i1 to i32
      %sign3A_185 = arith.subi %sign3A_181, %sign3A_184 : i32
      %ne3A_186 = arith.cmpi ne, %sign3A_178, %sign3A_185 : i32
      %rem3A_187 = arith.remsi %add3A_134, %jit3A_170 : i32
      %ne3A_188 = arith.constant 0 : i32
      %ne3A_189 = arith.cmpi ne, %rem3A_187, %ne3A_188 : i32
      %and3A_190 = arith.andi %ne3A_186, %ne3A_189 : i1
      %sub3A_191 = arith.constant 1 : i32
      %sub3A_192 = arith.subi %div3A_171, %sub3A_191 : i32
      %select_n3A_193 = arith.select %and3A_190, %sub3A_192, %div3A_171 : i32
      %add3A_194 = arith.addi %mul3A_2, %select_n3A_193 : i32
      %dma_start3A_195 = arith.constant 96 : i32
      %dma_start3A_196 = arith.constant 0 : i32
      %dma_start3A_197 = tpu.memref_slice %arg5[%add3A_194, %dma_start3A_195, %dma_start3A_196] : memref<4096x200x64xf32, #tpu.memory_space<hbm>> -> memref<1x104x64xf32, #tpu.memory_space<hbm>>
      %dma_start3A_198 = tpu.memref_squeeze %dma_start3A_197 : memref<1x104x64xf32, #tpu.memory_space<hbm>> -> memref<104x64xf32, #tpu.memory_space<hbm>>
      %dma_start3A_199 = arith.constant 96 : i32
      %dma_start3A_200 = arith.constant 0 : i32
      %dma_start3A_201 = tpu.memref_slice %arg5[%add3A_194, %dma_start3A_199, %dma_start3A_200] : memref<4096x200x64xf32, #tpu.memory_space<hbm>> -> memref<1x104x64xf32, #tpu.memory_space<hbm>>
      %dma_start3A_202 = tpu.memref_squeeze %dma_start3A_201 : memref<1x104x64xf32, #tpu.memory_space<hbm>> -> memref<104x64xf32, #tpu.memory_space<hbm>>
      tpu.enqueue_dma source(%arg9 : memref<104x64xf32, #tpu.memory_space<vmem>>) target(%dma_start3A_202 : memref<104x64xf32, #tpu.memory_space<hbm>>) target_semaphore(%arg17 : memref<!tpu.dma_semaphore, #tpu.memory_space<semaphore_mem>>)
      %add3A_203 = arith.constant 3 : i32
      %add3A_204 = arith.addi %add3A_134, %add3A_203 : i32
      %lt3A_205 = arith.constant 256 : i32
      %lt3A_206 = arith.cmpi slt, %add3A_204, %lt3A_205 : i32
      %convert_element_type3A_207 = arith.extui %lt3A_206 : i1 to i32
      %cond3A_208 = arith.constant 0 : i32
      %cond3A_209 = arith.cmpi ne, %convert_element_type3A_207, %cond3A_208 : i32
      scf.if %cond3A_209 {
        %ge3A = arith.constant 1 : i32
        %ge3A_364 = arith.cmpi sge, %add3A_134, %ge3A : i32
        %convert_element_type3A_365 = arith.extui %ge3A_364 : i1 to i32
        %cond3A_366 = arith.constant 0 : i32
        %cond3A_367 = arith.cmpi ne, %convert_element_type3A_365, %cond3A_366 : i32
        scf.if %cond3A_367 {
          %dma_wait3A_398 = arith.constant 0 : i32
          %dma_wait3A_399 = arith.constant 0 : i32
          %dma_wait3A_400 = arith.constant 0 : i32
          %dma_wait3A_401 = tpu.memref_slice %arg5[%dma_wait3A_398, %dma_wait3A_399, %dma_wait3A_400] : memref<4096x200x64xf32, #tpu.memory_space<hbm>> -> memref<1x104x64xf32, #tpu.memory_space<hbm>>
          %dma_wait3A_402 = tpu.memref_squeeze %dma_wait3A_401 : memref<1x104x64xf32, #tpu.memory_space<hbm>> -> memref<104x64xf32, #tpu.memory_space<hbm>>
          %dma_wait3A_403 = arith.constant 0 : i32
          %dma_wait3A_404 = arith.constant 0 : i32
          %dma_wait3A_405 = tpu.memref_slice %arg5[%dma_wait3A_398, %dma_wait3A_403, %dma_wait3A_404] : memref<4096x200x64xf32, #tpu.memory_space<hbm>> -> memref<1x104x64xf32, #tpu.memory_space<hbm>>
          %dma_wait3A_406 = tpu.memref_squeeze %dma_wait3A_405 : memref<1x104x64xf32, #tpu.memory_space<hbm>> -> memref<104x64xf32, #tpu.memory_space<hbm>>
          tpu.wait_dma2 semaphore(%arg16 : memref<!tpu.dma_semaphore, #tpu.memory_space<semaphore_mem>>) src(%arg8 : memref<104x64xf32, #tpu.memory_space<vmem>>) dst(%dma_wait3A_406 : memref<104x64xf32, #tpu.memory_space<hbm>>)
        } else {
        }
        %jit3A_368 = arith.constant 2 : i32
        %div3A_369 = arith.divsi %add3A_204, %jit3A_368 : i32
        %sign3A_370 = arith.constant 0 : i32
        %sign3A_371 = arith.cmpi sgt, %add3A_204, %sign3A_370 : i32
        %sign3A_372 = arith.extui %sign3A_371 : i1 to i32
        %sign3A_373 = arith.constant 0 : i32
        %sign3A_374 = arith.cmpi slt, %add3A_204, %sign3A_373 : i32
        %sign3A_375 = arith.extui %sign3A_374 : i1 to i32
        %sign3A_376 = arith.subi %sign3A_372, %sign3A_375 : i32
        %sign3A_377 = arith.constant 0 : i32
        %sign3A_378 = arith.cmpi sgt, %jit3A_368, %sign3A_377 : i32
        %sign3A_379 = arith.extui %sign3A_378 : i1 to i32
        %sign3A_380 = arith.constant 0 : i32
        %sign3A_381 = arith.cmpi slt, %jit3A_368, %sign3A_380 : i32
        %sign3A_382 = arith.extui %sign3A_381 : i1 to i32
        %sign3A_383 = arith.subi %sign3A_379, %sign3A_382 : i32
        %ne3A_384 = arith.cmpi ne, %sign3A_376, %sign3A_383 : i32
        %rem3A_385 = arith.remsi %add3A_204, %jit3A_368 : i32
        %ne3A_386 = arith.constant 0 : i32
        %ne3A_387 = arith.cmpi ne, %rem3A_385, %ne3A_386 : i32
        %and3A_388 = arith.andi %ne3A_384, %ne3A_387 : i1
        %sub3A_389 = arith.constant 1 : i32
        %sub3A_390 = arith.subi %div3A_369, %sub3A_389 : i32
        %select_n3A_391 = arith.select %and3A_388, %sub3A_390, %div3A_369 : i32
        %dma_start3A_392 = arith.constant 0 : i32
        %dma_start3A_393 = tpu.memref_slice %arg6[%select_n3A_391, %dma_start3A_392] : memref<128x200xi32, #tpu.memory_space<vmem>> -> memref<1x104xi32, #tpu.memory_space<vmem>>
        %dma_start3A_394 = tpu.memref_squeeze %dma_start3A_393 : memref<1x104xi32, #tpu.memory_space<vmem>> -> memref<104xi32, #tpu.memory_space<vmem>>
        %dma_start3A_395 = arith.constant 0 : i32
        %dma_start3A_396 = arith.constant 0 : i32
        %dma_start3A_397 = tpu.memref_slice %arg3[%dma_start3A_395, %dma_start3A_396] : memref<1000000x64xf32, #tpu.memory_space<hbm>> -> memref<1000000x64xf32, #tpu.memory_space<hbm>>
        tpu.enqueue_indirect_dma source(%dma_start3A_397 : memref<1000000x64xf32, #tpu.memory_space<hbm>>) target(%arg8 : memref<104x64xf32, #tpu.memory_space<vmem>>) offsets(%dma_start3A_394 : memref<104xi32, #tpu.memory_space<vmem>>) semaphore(%arg12 : memref<!tpu.dma_semaphore, #tpu.memory_space<semaphore_mem>>)
      } else {
      }
      %add3A_210 = arith.constant 2 : i32
      %add3A_211 = arith.addi %add3A_66, %add3A_210 : i32
      %jit3A_212 = arith.constant 2 : i32
      %div3A_213 = arith.divsi %add3A_211, %jit3A_212 : i32
      %sign3A_214 = arith.constant 0 : i32
      %sign3A_215 = arith.cmpi sgt, %add3A_211, %sign3A_214 : i32
      %sign3A_216 = arith.extui %sign3A_215 : i1 to i32
      %sign3A_217 = arith.constant 0 : i32
      %sign3A_218 = arith.cmpi slt, %add3A_211, %sign3A_217 : i32
      %sign3A_219 = arith.extui %sign3A_218 : i1 to i32
      %sign3A_220 = arith.subi %sign3A_216, %sign3A_219 : i32
      %sign3A_221 = arith.constant 0 : i32
      %sign3A_222 = arith.cmpi sgt, %jit3A_212, %sign3A_221 : i32
      %sign3A_223 = arith.extui %sign3A_222 : i1 to i32
      %sign3A_224 = arith.constant 0 : i32
      %sign3A_225 = arith.cmpi slt, %jit3A_212, %sign3A_224 : i32
      %sign3A_226 = arith.extui %sign3A_225 : i1 to i32
      %sign3A_227 = arith.subi %sign3A_223, %sign3A_226 : i32
      %ne3A_228 = arith.cmpi ne, %sign3A_220, %sign3A_227 : i32
      %rem3A_229 = arith.remsi %add3A_211, %jit3A_212 : i32
      %ne3A_230 = arith.constant 0 : i32
      %ne3A_231 = arith.cmpi ne, %rem3A_229, %ne3A_230 : i32
      %and3A_232 = arith.andi %ne3A_228, %ne3A_231 : i1
      %sub3A_233 = arith.constant 1 : i32
      %sub3A_234 = arith.subi %div3A_213, %sub3A_233 : i32
      %select_n3A_235 = arith.select %and3A_232, %sub3A_234, %div3A_213 : i32
      %dma_wait3A_236 = arith.constant 0 : i32
      %dma_wait3A_237 = tpu.memref_slice %arg6[%select_n3A_235, %dma_wait3A_236] : memref<128x200xi32, #tpu.memory_space<vmem>> -> memref<1x104xi32, #tpu.memory_space<vmem>>
      %dma_wait3A_238 = tpu.memref_squeeze %dma_wait3A_237 : memref<1x104xi32, #tpu.memory_space<vmem>> -> memref<104xi32, #tpu.memory_space<vmem>>
      %dma_wait3A_239 = arith.constant 0 : i32
      %dma_wait3A_240 = arith.constant 0 : i32
      %dma_wait3A_241 = tpu.memref_slice %arg3[%dma_wait3A_239, %dma_wait3A_240] : memref<1000000x64xf32, #tpu.memory_space<hbm>> -> memref<1000000x64xf32, #tpu.memory_space<hbm>>
      tpu.wait_indirect_dma semaphore(%arg14 : memref<!tpu.dma_semaphore, #tpu.memory_space<semaphore_mem>>) src(%dma_wait3A_241 : memref<1000000x64xf32, #tpu.memory_space<hbm>>) dst(%arg10 : memref<104x64xf32, #tpu.memory_space<vmem>>)
      %scan3A_242 = arith.constant 0 : i32
      %scan3A_243 = arith.constant 104 : i32
      %scan3A_244 = arith.addi %scan3A_242, %scan3A_243 : i32
      %scan3A_245 = arith.constant 1 : i32
      scf.for %scan3A_364 = %scan3A_242 to %scan3A_244 step %scan3A_245  : i32 {
        %mul3A_365 = arith.constant 1 : i32
        %mul3A_366 = arith.muli %scan3A_364, %mul3A_365 : i32
        %add3A_367 = arith.constant 0 : i32
        %add3A_368 = arith.addi %add3A_367, %mul3A_366 : i32
        %add3A_369 = arith.constant 0 : i32
        %add3A_370 = arith.addi %add3A_369, %add3A_368 : i32
        %get3A = arith.index_cast %add3A_370 : i32 to index
        %get3A_371 = arith.constant 0 : index
        %get3A_372 = tpu.vector_load %arg7[%get3A, %get3A_371] {strides = array<i32>} : memref<200x64xf32, #tpu.memory_space<vmem>>, vector<1x16xf32>,
        %get3A_373 = vector.shape_cast %get3A_372 : vector<1x16xf32> to vector<16xf32>
        %swap3A = arith.index_cast %add3A_368 : i32 to index
        %swap3A_374 = arith.constant 0 : index
        %swap3A_375 = tpu.vector_load %arg10[%swap3A, %swap3A_374] {strides = array<i32>} : memref<104x64xf32, #tpu.memory_space<vmem>>, vector<1x16xf32>,
        %swap3A_376 = vector.shape_cast %swap3A_375 : vector<1x16xf32> to vector<16xf32>
        %swap3A_377 = vector.shape_cast %get3A_373 : vector<16xf32> to vector<1x16xf32>
        tpu.vector_store %arg10[%swap3A, %swap3A_374], %swap3A_377 {add = true, strides = array<i32>} : memref<104x64xf32, #tpu.memory_space<vmem>>, vector<1x16xf32>,
        %add3A_378 = arith.constant 0 : i32
        %add3A_379 = arith.addi %add3A_378, %add3A_368 : i32
        %get3A_380 = arith.index_cast %add3A_379 : i32 to index
        %get3A_381 = arith.constant 16 : index
        %get3A_382 = tpu.vector_load %arg7[%get3A_380, %get3A_381] {strides = array<i32>} : memref<200x64xf32, #tpu.memory_space<vmem>>, vector<1x16xf32>,
        %get3A_383 = vector.shape_cast %get3A_382 : vector<1x16xf32> to vector<16xf32>
        %swap3A_384 = arith.index_cast %add3A_368 : i32 to index
        %swap3A_385 = arith.constant 16 : index
        %swap3A_386 = tpu.vector_load %arg10[%swap3A_384, %swap3A_385] {strides = array<i32>} : memref<104x64xf32, #tpu.memory_space<vmem>>, vector<1x16xf32>,
        %swap3A_387 = vector.shape_cast %swap3A_386 : vector<1x16xf32> to vector<16xf32>
        %swap3A_388 = vector.shape_cast %get3A_383 : vector<16xf32> to vector<1x16xf32>
        tpu.vector_store %arg10[%swap3A_384, %swap3A_385], %swap3A_388 {add = true, strides = array<i32>} : memref<104x64xf32, #tpu.memory_space<vmem>>, vector<1x16xf32>,
        %add3A_389 = arith.constant 0 : i32
        %add3A_390 = arith.addi %add3A_389, %add3A_368 : i32
        %get3A_391 = arith.index_cast %add3A_390 : i32 to index
        %get3A_392 = arith.constant 32 : index
        %get3A_393 = tpu.vector_load %arg7[%get3A_391, %get3A_392] {strides = array<i32>} : memref<200x64xf32, #tpu.memory_space<vmem>>, vector<1x16xf32>,
        %get3A_394 = vector.shape_cast %get3A_393 : vector<1x16xf32> to vector<16xf32>
        %swap3A_395 = arith.index_cast %add3A_368 : i32 to index
        %swap3A_396 = arith.constant 32 : index
        %swap3A_397 = tpu.vector_load %arg10[%swap3A_395, %swap3A_396] {strides = array<i32>} : memref<104x64xf32, #tpu.memory_space<vmem>>, vector<1x16xf32>,
        %swap3A_398 = vector.shape_cast %swap3A_397 : vector<1x16xf32> to vector<16xf32>
        %swap3A_399 = vector.shape_cast %get3A_394 : vector<16xf32> to vector<1x16xf32>
        tpu.vector_store %arg10[%swap3A_395, %swap3A_396], %swap3A_399 {add = true, strides = array<i32>} : memref<104x64xf32, #tpu.memory_space<vmem>>, vector<1x16xf32>,
        %add3A_400 = arith.constant 0 : i32
        %add3A_401 = arith.addi %add3A_400, %add3A_368 : i32
        %get3A_402 = arith.index_cast %add3A_401 : i32 to index
        %get3A_403 = arith.constant 48 : index
        %get3A_404 = tpu.vector_load %arg7[%get3A_402, %get3A_403] {strides = array<i32>} : memref<200x64xf32, #tpu.memory_space<vmem>>, vector<1x16xf32>,
        %get3A_405 = vector.shape_cast %get3A_404 : vector<1x16xf32> to vector<16xf32>
        %swap3A_406 = arith.index_cast %add3A_368 : i32 to index
        %swap3A_407 = arith.constant 48 : index
        %swap3A_408 = tpu.vector_load %arg10[%swap3A_406, %swap3A_407] {strides = array<i32>} : memref<104x64xf32, #tpu.memory_space<vmem>>, vector<1x16xf32>,
        %swap3A_409 = vector.shape_cast %swap3A_408 : vector<1x16xf32> to vector<16xf32>
        %swap3A_410 = vector.shape_cast %get3A_405 : vector<16xf32> to vector<1x16xf32>
        tpu.vector_store %arg10[%swap3A_406, %swap3A_407], %swap3A_410 {add = true, strides = array<i32>} : memref<104x64xf32, #tpu.memory_space<vmem>>, vector<1x16xf32>,
      }
      %scan3A_246 = arith.constant 104 : i32
      %jit3A_247 = arith.constant 2 : i32
      %div3A_248 = arith.divsi %add3A_211, %jit3A_247 : i32
      %sign3A_249 = arith.constant 0 : i32
      %sign3A_250 = arith.cmpi sgt, %add3A_211, %sign3A_249 : i32
      %sign3A_251 = arith.extui %sign3A_250 : i1 to i32
      %sign3A_252 = arith.constant 0 : i32
      %sign3A_253 = arith.cmpi slt, %add3A_211, %sign3A_252 : i32
      %sign3A_254 = arith.extui %sign3A_253 : i1 to i32
      %sign3A_255 = arith.subi %sign3A_251, %sign3A_254 : i32
      %sign3A_256 = arith.constant 0 : i32
      %sign3A_257 = arith.cmpi sgt, %jit3A_247, %sign3A_256 : i32
      %sign3A_258 = arith.extui %sign3A_257 : i1 to i32
      %sign3A_259 = arith.constant 0 : i32
      %sign3A_260 = arith.cmpi slt, %jit3A_247, %sign3A_259 : i32
      %sign3A_261 = arith.extui %sign3A_260 : i1 to i32
      %sign3A_262 = arith.subi %sign3A_258, %sign3A_261 : i32
      %ne3A_263 = arith.cmpi ne, %sign3A_255, %sign3A_262 : i32
      %rem3A_264 = arith.remsi %add3A_211, %jit3A_247 : i32
      %ne3A_265 = arith.constant 0 : i32
      %ne3A_266 = arith.cmpi ne, %rem3A_264, %ne3A_265 : i32
      %and3A_267 = arith.andi %ne3A_263, %ne3A_266 : i1
      %sub3A_268 = arith.constant 1 : i32
      %sub3A_269 = arith.subi %div3A_248, %sub3A_268 : i32
      %select_n3A_270 = arith.select %and3A_267, %sub3A_269, %div3A_248 : i32
      %add3A_271 = arith.addi %mul3A_2, %select_n3A_270 : i32
      %dma_start3A_272 = arith.constant 0 : i32
      %dma_start3A_273 = arith.constant 0 : i32
      %dma_start3A_274 = tpu.memref_slice %arg5[%add3A_271, %dma_start3A_272, %dma_start3A_273] : memref<4096x200x64xf32, #tpu.memory_space<hbm>> -> memref<1x104x64xf32, #tpu.memory_space<hbm>>
      %dma_start3A_275 = tpu.memref_squeeze %dma_start3A_274 : memref<1x104x64xf32, #tpu.memory_space<hbm>> -> memref<104x64xf32, #tpu.memory_space<hbm>>
      %dma_start3A_276 = arith.constant 0 : i32
      %dma_start3A_277 = arith.constant 0 : i32
      %dma_start3A_278 = tpu.memref_slice %arg5[%add3A_271, %dma_start3A_276, %dma_start3A_277] : memref<4096x200x64xf32, #tpu.memory_space<hbm>> -> memref<1x104x64xf32, #tpu.memory_space<hbm>>
      %dma_start3A_279 = tpu.memref_squeeze %dma_start3A_278 : memref<1x104x64xf32, #tpu.memory_space<hbm>> -> memref<104x64xf32, #tpu.memory_space<hbm>>
      tpu.enqueue_dma source(%arg10 : memref<104x64xf32, #tpu.memory_space<vmem>>) target(%dma_start3A_279 : memref<104x64xf32, #tpu.memory_space<hbm>>) target_semaphore(%arg18 : memref<!tpu.dma_semaphore, #tpu.memory_space<semaphore_mem>>)
      %add3A_280 = arith.constant 3 : i32
      %add3A_281 = arith.addi %add3A_211, %add3A_280 : i32
      %lt3A_282 = arith.constant 256 : i32
      %lt3A_283 = arith.cmpi slt, %add3A_281, %lt3A_282 : i32
      %convert_element_type3A_284 = arith.extui %lt3A_283 : i1 to i32
      %cond3A_285 = arith.constant 0 : i32
      %cond3A_286 = arith.cmpi ne, %convert_element_type3A_284, %cond3A_285 : i32
      scf.if %cond3A_286 {
        %ge3A = arith.constant 1 : i32
        %ge3A_364 = arith.cmpi sge, %add3A_211, %ge3A : i32
        %convert_element_type3A_365 = arith.extui %ge3A_364 : i1 to i32
        %cond3A_366 = arith.constant 0 : i32
        %cond3A_367 = arith.cmpi ne, %convert_element_type3A_365, %cond3A_366 : i32
        scf.if %cond3A_367 {
          %dma_wait3A_398 = arith.constant 0 : i32
          %dma_wait3A_399 = arith.constant 0 : i32
          %dma_wait3A_400 = arith.constant 0 : i32
          %dma_wait3A_401 = tpu.memref_slice %arg5[%dma_wait3A_398, %dma_wait3A_399, %dma_wait3A_400] : memref<4096x200x64xf32, #tpu.memory_space<hbm>> -> memref<1x104x64xf32, #tpu.memory_space<hbm>>
          %dma_wait3A_402 = tpu.memref_squeeze %dma_wait3A_401 : memref<1x104x64xf32, #tpu.memory_space<hbm>> -> memref<104x64xf32, #tpu.memory_space<hbm>>
          %dma_wait3A_403 = arith.constant 0 : i32
          %dma_wait3A_404 = arith.constant 0 : i32
          %dma_wait3A_405 = tpu.memref_slice %arg5[%dma_wait3A_398, %dma_wait3A_403, %dma_wait3A_404] : memref<4096x200x64xf32, #tpu.memory_space<hbm>> -> memref<1x104x64xf32, #tpu.memory_space<hbm>>
          %dma_wait3A_406 = tpu.memref_squeeze %dma_wait3A_405 : memref<1x104x64xf32, #tpu.memory_space<hbm>> -> memref<104x64xf32, #tpu.memory_space<hbm>>
          tpu.wait_dma2 semaphore(%arg17 : memref<!tpu.dma_semaphore, #tpu.memory_space<semaphore_mem>>) src(%arg9 : memref<104x64xf32, #tpu.memory_space<vmem>>) dst(%dma_wait3A_406 : memref<104x64xf32, #tpu.memory_space<hbm>>)
        } else {
        }
        %jit3A_368 = arith.constant 2 : i32
        %div3A_369 = arith.divsi %add3A_281, %jit3A_368 : i32
        %sign3A_370 = arith.constant 0 : i32
        %sign3A_371 = arith.cmpi sgt, %add3A_281, %sign3A_370 : i32
        %sign3A_372 = arith.extui %sign3A_371 : i1 to i32
        %sign3A_373 = arith.constant 0 : i32
        %sign3A_374 = arith.cmpi slt, %add3A_281, %sign3A_373 : i32
        %sign3A_375 = arith.extui %sign3A_374 : i1 to i32
        %sign3A_376 = arith.subi %sign3A_372, %sign3A_375 : i32
        %sign3A_377 = arith.constant 0 : i32
        %sign3A_378 = arith.cmpi sgt, %jit3A_368, %sign3A_377 : i32
        %sign3A_379 = arith.extui %sign3A_378 : i1 to i32
        %sign3A_380 = arith.constant 0 : i32
        %sign3A_381 = arith.cmpi slt, %jit3A_368, %sign3A_380 : i32
        %sign3A_382 = arith.extui %sign3A_381 : i1 to i32
        %sign3A_383 = arith.subi %sign3A_379, %sign3A_382 : i32
        %ne3A_384 = arith.cmpi ne, %sign3A_376, %sign3A_383 : i32
        %rem3A_385 = arith.remsi %add3A_281, %jit3A_368 : i32
        %ne3A_386 = arith.constant 0 : i32
        %ne3A_387 = arith.cmpi ne, %rem3A_385, %ne3A_386 : i32
        %and3A_388 = arith.andi %ne3A_384, %ne3A_387 : i1
        %sub3A_389 = arith.constant 1 : i32
        %sub3A_390 = arith.subi %div3A_369, %sub3A_389 : i32
        %select_n3A_391 = arith.select %and3A_388, %sub3A_390, %div3A_369 : i32
        %dma_start3A_392 = arith.constant 96 : i32
        %dma_start3A_393 = tpu.memref_slice %arg6[%select_n3A_391, %dma_start3A_392] : memref<128x200xi32, #tpu.memory_space<vmem>> -> memref<1x104xi32, #tpu.memory_space<vmem>>
        %dma_start3A_394 = tpu.memref_squeeze %dma_start3A_393 : memref<1x104xi32, #tpu.memory_space<vmem>> -> memref<104xi32, #tpu.memory_space<vmem>>
        %dma_start3A_395 = arith.constant 0 : i32
        %dma_start3A_396 = arith.constant 0 : i32
        %dma_start3A_397 = tpu.memref_slice %arg3[%dma_start3A_395, %dma_start3A_396] : memref<1000000x64xf32, #tpu.memory_space<hbm>> -> memref<1000000x64xf32, #tpu.memory_space<hbm>>
        tpu.enqueue_indirect_dma source(%dma_start3A_397 : memref<1000000x64xf32, #tpu.memory_space<hbm>>) target(%arg9 : memref<104x64xf32, #tpu.memory_space<vmem>>) offsets(%dma_start3A_394 : memref<104xi32, #tpu.memory_space<vmem>>) semaphore(%arg13 : memref<!tpu.dma_semaphore, #tpu.memory_space<semaphore_mem>>)
      } else {
      }
      %add3A_287 = arith.constant 3 : i32
      %add3A_288 = arith.addi %add3A_66, %add3A_287 : i32
      %jit3A_289 = arith.constant 2 : i32
      %div3A_290 = arith.divsi %add3A_288, %jit3A_289 : i32
      %sign3A_291 = arith.constant 0 : i32
      %sign3A_292 = arith.cmpi sgt, %add3A_288, %sign3A_291 : i32
      %sign3A_293 = arith.extui %sign3A_292 : i1 to i32
      %sign3A_294 = arith.constant 0 : i32
      %sign3A_295 = arith.cmpi slt, %add3A_288, %sign3A_294 : i32
      %sign3A_296 = arith.extui %sign3A_295 : i1 to i32
      %sign3A_297 = arith.subi %sign3A_293, %sign3A_296 : i32
      %sign3A_298 = arith.constant 0 : i32
      %sign3A_299 = arith.cmpi sgt, %jit3A_289, %sign3A_298 : i32
      %sign3A_300 = arith.extui %sign3A_299 : i1 to i32
      %sign3A_301 = arith.constant 0 : i32
      %sign3A_302 = arith.cmpi slt, %jit3A_289, %sign3A_301 : i32
      %sign3A_303 = arith.extui %sign3A_302 : i1 to i32
      %sign3A_304 = arith.subi %sign3A_300, %sign3A_303 : i32
      %ne3A_305 = arith.cmpi ne, %sign3A_297, %sign3A_304 : i32
      %rem3A_306 = arith.remsi %add3A_288, %jit3A_289 : i32
      %ne3A_307 = arith.constant 0 : i32
      %ne3A_308 = arith.cmpi ne, %rem3A_306, %ne3A_307 : i32
      %and3A_309 = arith.andi %ne3A_305, %ne3A_308 : i1
      %sub3A_310 = arith.constant 1 : i32
      %sub3A_311 = arith.subi %div3A_290, %sub3A_310 : i32
      %select_n3A_312 = arith.select %and3A_309, %sub3A_311, %div3A_290 : i32
      %dma_wait3A_313 = arith.constant 96 : i32
      %dma_wait3A_314 = tpu.memref_slice %arg6[%select_n3A_312, %dma_wait3A_313] : memref<128x200xi32, #tpu.memory_space<vmem>> -> memref<1x104xi32, #tpu.memory_space<vmem>>
      %dma_wait3A_315 = tpu.memref_squeeze %dma_wait3A_314 : memref<1x104xi32, #tpu.memory_space<vmem>> -> memref<104xi32, #tpu.memory_space<vmem>>
      %dma_wait3A_316 = arith.constant 0 : i32
      %dma_wait3A_317 = arith.constant 0 : i32
      %dma_wait3A_318 = tpu.memref_slice %arg3[%dma_wait3A_316, %dma_wait3A_317] : memref<1000000x64xf32, #tpu.memory_space<hbm>> -> memref<1000000x64xf32, #tpu.memory_space<hbm>>
      tpu.wait_indirect_dma semaphore(%arg15 : memref<!tpu.dma_semaphore, #tpu.memory_space<semaphore_mem>>) src(%dma_wait3A_318 : memref<1000000x64xf32, #tpu.memory_space<hbm>>) dst(%arg11 : memref<104x64xf32, #tpu.memory_space<vmem>>)
      %scan3A_319 = arith.constant 0 : i32
      %scan3A_320 = arith.constant 104 : i32
      %scan3A_321 = arith.addi %scan3A_319, %scan3A_320 : i32
      %scan3A_322 = arith.constant 1 : i32
      scf.for %scan3A_364 = %scan3A_319 to %scan3A_321 step %scan3A_322  : i32 {
        %mul3A_365 = arith.constant 1 : i32
        %mul3A_366 = arith.muli %scan3A_364, %mul3A_365 : i32
        %add3A_367 = arith.constant 0 : i32
        %add3A_368 = arith.addi %add3A_367, %mul3A_366 : i32
        %add3A_369 = arith.constant 96 : i32
        %add3A_370 = arith.addi %add3A_369, %add3A_368 : i32
        %get3A = arith.index_cast %add3A_370 : i32 to index
        %get3A_371 = arith.constant 0 : index
        %get3A_372 = tpu.vector_load %arg7[%get3A, %get3A_371] {strides = array<i32>} : memref<200x64xf32, #tpu.memory_space<vmem>>, vector<1x16xf32>,
        %get3A_373 = vector.shape_cast %get3A_372 : vector<1x16xf32> to vector<16xf32>
        %swap3A = arith.index_cast %add3A_368 : i32 to index
        %swap3A_374 = arith.constant 0 : index
        %swap3A_375 = tpu.vector_load %arg11[%swap3A, %swap3A_374] {strides = array<i32>} : memref<104x64xf32, #tpu.memory_space<vmem>>, vector<1x16xf32>,
        %swap3A_376 = vector.shape_cast %swap3A_375 : vector<1x16xf32> to vector<16xf32>
        %swap3A_377 = vector.shape_cast %get3A_373 : vector<16xf32> to vector<1x16xf32>
        tpu.vector_store %arg11[%swap3A, %swap3A_374], %swap3A_377 {add = true, strides = array<i32>} : memref<104x64xf32, #tpu.memory_space<vmem>>, vector<1x16xf32>,
        %add3A_378 = arith.constant 96 : i32
        %add3A_379 = arith.addi %add3A_378, %add3A_368 : i32
        %get3A_380 = arith.index_cast %add3A_379 : i32 to index
        %get3A_381 = arith.constant 16 : index
        %get3A_382 = tpu.vector_load %arg7[%get3A_380, %get3A_381] {strides = array<i32>} : memref<200x64xf32, #tpu.memory_space<vmem>>, vector<1x16xf32>,
        %get3A_383 = vector.shape_cast %get3A_382 : vector<1x16xf32> to vector<16xf32>
        %swap3A_384 = arith.index_cast %add3A_368 : i32 to index
        %swap3A_385 = arith.constant 16 : index
        %swap3A_386 = tpu.vector_load %arg11[%swap3A_384, %swap3A_385] {strides = array<i32>} : memref<104x64xf32, #tpu.memory_space<vmem>>, vector<1x16xf32>,
        %swap3A_387 = vector.shape_cast %swap3A_386 : vector<1x16xf32> to vector<16xf32>
        %swap3A_388 = vector.shape_cast %get3A_383 : vector<16xf32> to vector<1x16xf32>
        tpu.vector_store %arg11[%swap3A_384, %swap3A_385], %swap3A_388 {add = true, strides = array<i32>} : memref<104x64xf32, #tpu.memory_space<vmem>>, vector<1x16xf32>,
        %add3A_389 = arith.constant 96 : i32
        %add3A_390 = arith.addi %add3A_389, %add3A_368 : i32
        %get3A_391 = arith.index_cast %add3A_390 : i32 to index
        %get3A_392 = arith.constant 32 : index
        %get3A_393 = tpu.vector_load %arg7[%get3A_391, %get3A_392] {strides = array<i32>} : memref<200x64xf32, #tpu.memory_space<vmem>>, vector<1x16xf32>,
        %get3A_394 = vector.shape_cast %get3A_393 : vector<1x16xf32> to vector<16xf32>
        %swap3A_395 = arith.index_cast %add3A_368 : i32 to index
        %swap3A_396 = arith.constant 32 : index
        %swap3A_397 = tpu.vector_load %arg11[%swap3A_395, %swap3A_396] {strides = array<i32>} : memref<104x64xf32, #tpu.memory_space<vmem>>, vector<1x16xf32>,
        %swap3A_398 = vector.shape_cast %swap3A_397 : vector<1x16xf32> to vector<16xf32>
        %swap3A_399 = vector.shape_cast %get3A_394 : vector<16xf32> to vector<1x16xf32>
        tpu.vector_store %arg11[%swap3A_395, %swap3A_396], %swap3A_399 {add = true, strides = array<i32>} : memref<104x64xf32, #tpu.memory_space<vmem>>, vector<1x16xf32>,
        %add3A_400 = arith.constant 96 : i32
        %add3A_401 = arith.addi %add3A_400, %add3A_368 : i32
        %get3A_402 = arith.index_cast %add3A_401 : i32 to index
        %get3A_403 = arith.constant 48 : index
        %get3A_404 = tpu.vector_load %arg7[%get3A_402, %get3A_403] {strides = array<i32>} : memref<200x64xf32, #tpu.memory_space<vmem>>, vector<1x16xf32>,
        %get3A_405 = vector.shape_cast %get3A_404 : vector<1x16xf32> to vector<16xf32>
        %swap3A_406 = arith.index_cast %add3A_368 : i32 to index
        %swap3A_407 = arith.constant 48 : index
        %swap3A_408 = tpu.vector_load %arg11[%swap3A_406, %swap3A_407] {strides = array<i32>} : memref<104x64xf32, #tpu.memory_space<vmem>>, vector<1x16xf32>,
        %swap3A_409 = vector.shape_cast %swap3A_408 : vector<1x16xf32> to vector<16xf32>
        %swap3A_410 = vector.shape_cast %get3A_405 : vector<16xf32> to vector<1x16xf32>
        tpu.vector_store %arg11[%swap3A_406, %swap3A_407], %swap3A_410 {add = true, strides = array<i32>} : memref<104x64xf32, #tpu.memory_space<vmem>>, vector<1x16xf32>,
      }
      %scan3A_323 = arith.constant 104 : i32
      %jit3A_324 = arith.constant 2 : i32
      %div3A_325 = arith.divsi %add3A_288, %jit3A_324 : i32
      %sign3A_326 = arith.constant 0 : i32
      %sign3A_327 = arith.cmpi sgt, %add3A_288, %sign3A_326 : i32
      %sign3A_328 = arith.extui %sign3A_327 : i1 to i32
      %sign3A_329 = arith.constant 0 : i32
      %sign3A_330 = arith.cmpi slt, %add3A_288, %sign3A_329 : i32
      %sign3A_331 = arith.extui %sign3A_330 : i1 to i32
      %sign3A_332 = arith.subi %sign3A_328, %sign3A_331 : i32
      %sign3A_333 = arith.constant 0 : i32
      %sign3A_334 = arith.cmpi sgt, %jit3A_324, %sign3A_333 : i32
      %sign3A_335 = arith.extui %sign3A_334 : i1 to i32
      %sign3A_336 = arith.constant 0 : i32
      %sign3A_337 = arith.cmpi slt, %jit3A_324, %sign3A_336 : i32
      %sign3A_338 = arith.extui %sign3A_337 : i1 to i32
      %sign3A_339 = arith.subi %sign3A_335, %sign3A_338 : i32
      %ne3A_340 = arith.cmpi ne, %sign3A_332, %sign3A_339 : i32
      %rem3A_341 = arith.remsi %add3A_288, %jit3A_324 : i32
      %ne3A_342 = arith.constant 0 : i32
      %ne3A_343 = arith.cmpi ne, %rem3A_341, %ne3A_342 : i32
      %and3A_344 = arith.andi %ne3A_340, %ne3A_343 : i1
      %sub3A_345 = arith.constant 1 : i32
      %sub3A_346 = arith.subi %div3A_325, %sub3A_345 : i32
      %select_n3A_347 = arith.select %and3A_344, %sub3A_346, %div3A_325 : i32
      %add3A_348 = arith.addi %mul3A_2, %select_n3A_347 : i32
      %dma_start3A_349 = arith.constant 96 : i32
      %dma_start3A_350 = arith.constant 0 : i32
      %dma_start3A_351 = tpu.memref_slice %arg5[%add3A_348, %dma_start3A_349, %dma_start3A_350] : memref<4096x200x64xf32, #tpu.memory_space<hbm>> -> memref<1x104x64xf32, #tpu.memory_space<hbm>>
      %dma_start3A_352 = tpu.memref_squeeze %dma_start3A_351 : memref<1x104x64xf32, #tpu.memory_space<hbm>> -> memref<104x64xf32, #tpu.memory_space<hbm>>
      %dma_start3A_353 = arith.constant 96 : i32
      %dma_start3A_354 = arith.constant 0 : i32
      %dma_start3A_355 = tpu.memref_slice %arg5[%add3A_348, %dma_start3A_353, %dma_start3A_354] : memref<4096x200x64xf32, #tpu.memory_space<hbm>> -> memref<1x104x64xf32, #tpu.memory_space<hbm>>
      %dma_start3A_356 = tpu.memref_squeeze %dma_start3A_355 : memref<1x104x64xf32, #tpu.memory_space<hbm>> -> memref<104x64xf32, #tpu.memory_space<hbm>>
      tpu.enqueue_dma source(%arg11 : memref<104x64xf32, #tpu.memory_space<vmem>>) target(%dma_start3A_356 : memref<104x64xf32, #tpu.memory_space<hbm>>) target_semaphore(%arg19 : memref<!tpu.dma_semaphore, #tpu.memory_space<semaphore_mem>>)
      %add3A_357 = arith.constant 3 : i32
      %add3A_358 = arith.addi %add3A_288, %add3A_357 : i32
      %lt3A_359 = arith.constant 256 : i32
      %lt3A_360 = arith.cmpi slt, %add3A_358, %lt3A_359 : i32
      %convert_element_type3A_361 = arith.extui %lt3A_360 : i1 to i32
      %cond3A_362 = arith.constant 0 : i32
      %cond3A_363 = arith.cmpi ne, %convert_element_type3A_361, %cond3A_362 : i32
      scf.if %cond3A_363 {
        %ge3A = arith.constant 1 : i32
        %ge3A_364 = arith.cmpi sge, %add3A_288, %ge3A : i32
        %convert_element_type3A_365 = arith.extui %ge3A_364 : i1 to i32
        %cond3A_366 = arith.constant 0 : i32
        %cond3A_367 = arith.cmpi ne, %convert_element_type3A_365, %cond3A_366 : i32
        scf.if %cond3A_367 {
          %dma_wait3A_398 = arith.constant 0 : i32
          %dma_wait3A_399 = arith.constant 0 : i32
          %dma_wait3A_400 = arith.constant 0 : i32
          %dma_wait3A_401 = tpu.memref_slice %arg5[%dma_wait3A_398, %dma_wait3A_399, %dma_wait3A_400] : memref<4096x200x64xf32, #tpu.memory_space<hbm>> -> memref<1x104x64xf32, #tpu.memory_space<hbm>>
          %dma_wait3A_402 = tpu.memref_squeeze %dma_wait3A_401 : memref<1x104x64xf32, #tpu.memory_space<hbm>> -> memref<104x64xf32, #tpu.memory_space<hbm>>
          %dma_wait3A_403 = arith.constant 0 : i32
          %dma_wait3A_404 = arith.constant 0 : i32
          %dma_wait3A_405 = tpu.memref_slice %arg5[%dma_wait3A_398, %dma_wait3A_403, %dma_wait3A_404] : memref<4096x200x64xf32, #tpu.memory_space<hbm>> -> memref<1x104x64xf32, #tpu.memory_space<hbm>>
          %dma_wait3A_406 = tpu.memref_squeeze %dma_wait3A_405 : memref<1x104x64xf32, #tpu.memory_space<hbm>> -> memref<104x64xf32, #tpu.memory_space<hbm>>
          tpu.wait_dma2 semaphore(%arg18 : memref<!tpu.dma_semaphore, #tpu.memory_space<semaphore_mem>>) src(%arg10 : memref<104x64xf32, #tpu.memory_space<vmem>>) dst(%dma_wait3A_406 : memref<104x64xf32, #tpu.memory_space<hbm>>)
        } else {
        }
        %jit3A_368 = arith.constant 2 : i32
        %div3A_369 = arith.divsi %add3A_358, %jit3A_368 : i32
        %sign3A_370 = arith.constant 0 : i32
        %sign3A_371 = arith.cmpi sgt, %add3A_358, %sign3A_370 : i32
        %sign3A_372 = arith.extui %sign3A_371 : i1 to i32
        %sign3A_373 = arith.constant 0 : i32
        %sign3A_374 = arith.cmpi slt, %add3A_358, %sign3A_373 : i32
        %sign3A_375 = arith.extui %sign3A_374 : i1 to i32
        %sign3A_376 = arith.subi %sign3A_372, %sign3A_375 : i32
        %sign3A_377 = arith.constant 0 : i32
        %sign3A_378 = arith.cmpi sgt, %jit3A_368, %sign3A_377 : i32
        %sign3A_379 = arith.extui %sign3A_378 : i1 to i32
        %sign3A_380 = arith.constant 0 : i32
        %sign3A_381 = arith.cmpi slt, %jit3A_368, %sign3A_380 : i32
        %sign3A_382 = arith.extui %sign3A_381 : i1 to i32
        %sign3A_383 = arith.subi %sign3A_379, %sign3A_382 : i32
        %ne3A_384 = arith.cmpi ne, %sign3A_376, %sign3A_383 : i32
        %rem3A_385 = arith.remsi %add3A_358, %jit3A_368 : i32
        %ne3A_386 = arith.constant 0 : i32
        %ne3A_387 = arith.cmpi ne, %rem3A_385, %ne3A_386 : i32
        %and3A_388 = arith.andi %ne3A_384, %ne3A_387 : i1
        %sub3A_389 = arith.constant 1 : i32
        %sub3A_390 = arith.subi %div3A_369, %sub3A_389 : i32
        %select_n3A_391 = arith.select %and3A_388, %sub3A_390, %div3A_369 : i32
        %dma_start3A_392 = arith.constant 0 : i32
        %dma_start3A_393 = tpu.memref_slice %arg6[%select_n3A_391, %dma_start3A_392] : memref<128x200xi32, #tpu.memory_space<vmem>> -> memref<1x104xi32, #tpu.memory_space<vmem>>
        %dma_start3A_394 = tpu.memref_squeeze %dma_start3A_393 : memref<1x104xi32, #tpu.memory_space<vmem>> -> memref<104xi32, #tpu.memory_space<vmem>>
        %dma_start3A_395 = arith.constant 0 : i32
        %dma_start3A_396 = arith.constant 0 : i32
        %dma_start3A_397 = tpu.memref_slice %arg3[%dma_start3A_395, %dma_start3A_396] : memref<1000000x64xf32, #tpu.memory_space<hbm>> -> memref<1000000x64xf32, #tpu.memory_space<hbm>>
        tpu.enqueue_indirect_dma source(%dma_start3A_397 : memref<1000000x64xf32, #tpu.memory_space<hbm>>) target(%arg10 : memref<104x64xf32, #tpu.memory_space<vmem>>) offsets(%dma_start3A_394 : memref<104xi32, #tpu.memory_space<vmem>>) semaphore(%arg14 : memref<!tpu.dma_semaphore, #tpu.memory_space<semaphore_mem>>)
      } else {
      }
    }
    %scan3A_26 = arith.constant 64 : i32
    %dma_wait3A = arith.constant 0 : i32
    %dma_wait3A_27 = arith.constant 0 : i32
    %dma_wait3A_28 = arith.constant 0 : i32
    %dma_wait3A_29 = tpu.memref_slice %arg5[%dma_wait3A, %dma_wait3A_27, %dma_wait3A_28] : memref<4096x200x64xf32, #tpu.memory_space<hbm>> -> memref<1x104x64xf32, #tpu.memory_space<hbm>>
    %dma_wait3A_30 = tpu.memref_squeeze %dma_wait3A_29 : memref<1x104x64xf32, #tpu.memory_space<hbm>> -> memref<104x64xf32, #tpu.memory_space<hbm>>
    %dma_wait3A_31 = arith.constant 0 : i32
    %dma_wait3A_32 = arith.constant 0 : i32
    %dma_wait3A_33 = tpu.memref_slice %arg5[%dma_wait3A, %dma_wait3A_31, %dma_wait3A_32] : memref<4096x200x64xf32, #tpu.memory_space<hbm>> -> memref<1x104x64xf32, #tpu.memory_space<hbm>>
    %dma_wait3A_34 = tpu.memref_squeeze %dma_wait3A_33 : memref<1x104x64xf32, #tpu.memory_space<hbm>> -> memref<104x64xf32, #tpu.memory_space<hbm>>
    tpu.wait_dma2 semaphore(%arg16 : memref<!tpu.dma_semaphore, #tpu.memory_space<semaphore_mem>>) src(%arg8 : memref<104x64xf32, #tpu.memory_space<vmem>>) dst(%dma_wait3A_34 : memref<104x64xf32, #tpu.memory_space<hbm>>)
    %dma_wait3A_35 = arith.constant 0 : i32
    %dma_wait3A_36 = arith.constant 0 : i32
    %dma_wait3A_37 = arith.constant 0 : i32
    %dma_wait3A_38 = tpu.memref_slice %arg5[%dma_wait3A_35, %dma_wait3A_36, %dma_wait3A_37] : memref<4096x200x64xf32, #tpu.memory_space<hbm>> -> memref<1x104x64xf32, #tpu.memory_space<hbm>>
    %dma_wait3A_39 = tpu.memref_squeeze %dma_wait3A_38 : memref<1x104x64xf32, #tpu.memory_space<hbm>> -> memref<104x64xf32, #tpu.memory_space<hbm>>
    %dma_wait3A_40 = arith.constant 0 : i32
    %dma_wait3A_41 = arith.constant 0 : i32
    %dma_wait3A_42 = tpu.memref_slice %arg5[%dma_wait3A_35, %dma_wait3A_40, %dma_wait3A_41] : memref<4096x200x64xf32, #tpu.memory_space<hbm>> -> memref<1x104x64xf32, #tpu.memory_space<hbm>>
    %dma_wait3A_43 = tpu.memref_squeeze %dma_wait3A_42 : memref<1x104x64xf32, #tpu.memory_space<hbm>> -> memref<104x64xf32, #tpu.memory_space<hbm>>
    tpu.wait_dma2 semaphore(%arg17 : memref<!tpu.dma_semaphore, #tpu.memory_space<semaphore_mem>>) src(%arg9 : memref<104x64xf32, #tpu.memory_space<vmem>>) dst(%dma_wait3A_43 : memref<104x64xf32, #tpu.memory_space<hbm>>)
    %dma_wait3A_44 = arith.constant 0 : i32
    %dma_wait3A_45 = arith.constant 0 : i32
    %dma_wait3A_46 = arith.constant 0 : i32
    %dma_wait3A_47 = tpu.memref_slice %arg5[%dma_wait3A_44, %dma_wait3A_45, %dma_wait3A_46] : memref<4096x200x64xf32, #tpu.memory_space<hbm>> -> memref<1x104x64xf32, #tpu.memory_space<hbm>>
    %dma_wait3A_48 = tpu.memref_squeeze %dma_wait3A_47 : memref<1x104x64xf32, #tpu.memory_space<hbm>> -> memref<104x64xf32, #tpu.memory_space<hbm>>
    %dma_wait3A_49 = arith.constant 0 : i32
    %dma_wait3A_50 = arith.constant 0 : i32
    %dma_wait3A_51 = tpu.memref_slice %arg5[%dma_wait3A_44, %dma_wait3A_49, %dma_wait3A_50] : memref<4096x200x64xf32, #tpu.memory_space<hbm>> -> memref<1x104x64xf32, #tpu.memory_space<hbm>>
    %dma_wait3A_52 = tpu.memref_squeeze %dma_wait3A_51 : memref<1x104x64xf32, #tpu.memory_space<hbm>> -> memref<104x64xf32, #tpu.memory_space<hbm>>
    tpu.wait_dma2 semaphore(%arg18 : memref<!tpu.dma_semaphore, #tpu.memory_space<semaphore_mem>>) src(%arg10 : memref<104x64xf32, #tpu.memory_space<vmem>>) dst(%dma_wait3A_52 : memref<104x64xf32, #tpu.memory_space<hbm>>)
    %dma_wait3A_53 = arith.constant 0 : i32
    %dma_wait3A_54 = arith.constant 0 : i32
    %dma_wait3A_55 = arith.constant 0 : i32
    %dma_wait3A_56 = tpu.memref_slice %arg5[%dma_wait3A_53, %dma_wait3A_54, %dma_wait3A_55] : memref<4096x200x64xf32, #tpu.memory_space<hbm>> -> memref<1x104x64xf32, #tpu.memory_space<hbm>>
    %dma_wait3A_57 = tpu.memref_squeeze %dma_wait3A_56 : memref<1x104x64xf32, #tpu.memory_space<hbm>> -> memref<104x64xf32, #tpu.memory_space<hbm>>
    %dma_wait3A_58 = arith.constant 0 : i32
    %dma_wait3A_59 = arith.constant 0 : i32
    %dma_wait3A_60 = tpu.memref_slice %arg5[%dma_wait3A_53, %dma_wait3A_58, %dma_wait3A_59] : memref<4096x200x64xf32, #tpu.memory_space<hbm>> -> memref<1x104x64xf32, #tpu.memory_space<hbm>>
    %dma_wait3A_61 = tpu.memref_squeeze %dma_wait3A_60 : memref<1x104x64xf32, #tpu.memory_space<hbm>> -> memref<104x64xf32, #tpu.memory_space<hbm>>
    tpu.wait_dma2 semaphore(%arg19 : memref<!tpu.dma_semaphore, #tpu.memory_space<semaphore_mem>>) src(%arg11 : memref<104x64xf32, #tpu.memory_space<vmem>>) dst(%dma_wait3A_61 : memref<104x64xf32, #tpu.memory_space<hbm>>)
    return
  }
}

</mosaic_0001>

<sc_bundles>
// kernel: kernel.3.cloned.1.call-start
scs
__scs_entry_jumppad:
0x0: {  	(pc) =	sbr.rel $0x88, $3  }
0x1: {  	(tag) =	ssettag $0x0;
	lr =	simm.s32 $0x1  }
0x2: {  	[smem:$0x3F9F] =	sst lr;
	_ =	strace $0xD0000000  }
0x3: {  	_ = 	snop  }
0x4: {  	_ = 	snop  }
0x5: {  	_ = 	snop  }
0x6: {  	_ = 	snop  }
0x7: {  	_ = 	snop  }
__scs_overlays_trampoline_lowered:
0x8: {  	[smem:$0x3FAE] =	sst s0  }
0x9: {  	[smem:$0x3FAF] =	sst s1  }
0xa: {  	[smem:$0x3FB0] =	sst s2  }
0xb: {  	[smem:$0x3FB1] =	sst s3  }
0xc: {  	[smem:$0x3FB2] =	sst s4  }
0xd: {  	[smem:$0x3FB3] =	sst s5  }
0xe: {  	[smem:$0x3FB4] =	sst s6  }
0xf: {  	[smem:$0x3FB5] =	sst s7  }
0x10: {  	[smem:$0x3FB6] =	sst s8  }
0x11: {  	[smem:$0x3FB7] =	sst s9;
	s0 =	simm.s32 @!p0 $0x0  }
0x12: {  	s1 =	sld [smem:$0x3F9D];
	s0 =	simm.s32 @p0 $0x1  }
0x13: {  	[smem:$0x3FB8] =	sst s0;
	s0 =	simm.s32 @!p1 $0x0  }
0x14: {  	s2 =	sld [smem:$0x3F9C];
	s0 =	simm.s32 @p1 $0x1  }
0x15: {  	[smem:$0x3FB9] =	sst s0;
	s0 =	simm.s32 @!p2 $0x0  }
0x16: {  	s3 =	sld [smem:$0x3FDB];
	s0 =	simm.s32 @p2 $0x1  }
0x17: {  	s4 =	simm.s32 $0x1BF5;
	[smem:$0x3FBB] =	sst s0  }
0x18: {  	s0 =	sld [smem:$0x3F9E];
	_ =	swait.ge [sflag:s4], $0x0  }
0x19: {  	s7 =	sld [smem:$0x3F9F]  }
0x1a: {  	s8 =	sadd.s32 $0xFFFFE003, lr  }
0x1b: {  	s9 =	sadd.s32 $0xFFFFFEF7, lr;
	s5 =	simm.s32 $0xFFFFFFFF;
	p2 =	slt.u32 s8, $0xFFFFF086  }
0x1c: {  	p1 =	slt.u32 s9, $0xF7A;
	s5 =	simm.s32 @!p2 $0x0  }
0x1d: {  	s5 =	simm.s32 @p1 $0x1;
	p0 =	seq.s32 s7, s2  }
0x1e: {  	s7 =	smul.u32 @!p0 $0xF7A, s2;
	p2 =	seq.s32 @!p0 s5, $0x0  }
0x1f: {  	s9 =	smul.u32 $0xF7A, s1;
	s8 =	simm.s32 @!p0 $0x1BF5;
	p2 =	por !p2, p0  }
0x20: {  	[sflag:s8] =	ssyncset.s32 @!p0 $0xFFFFF086;
	s6 =	sadd.s32 @!p0 s3, s7;
	s7 =	simm.s32 @!p0 $0x108  }
0x21: {  	s3 =	sadd.s32 s3, s9;
	s6 =	sadd.s32 @!p0 $0x88, s6;
	s7 =	simm.s32 @p2 $0x1082  }
0x22: {  	[simem:s7], [sflag:s8] =	dma.local @!p0 [hbm:s6], $0xF7A  }
0x23: {  	s9 =	sor.u32 $0xD0000000, s2;
	s6 =	simm.s32 $0x108;
	_ =	swait.ge @!p0 [sflag:s8], $0x0  }
0x24: {  	s3 =	sadd.s32 $0x88, s3;
	s6 =	simm.s32 @!p1 $0x1082;
	[sflag:s4] =	ssyncset.s32 $0xFFFFF086  }
0x25: {  	[simem:s6], [sflag:s4] =	dma.local [hbm:s3], $0xF7A  }
0x26: {  	[smem:$0x3F9F] =	sst s1;
	(tag) =	ssettag s2;
	_ =	strace s9  }
0x27: {  	s1 =	sld [smem:$0x3FAF]  }
0x28: {  	s2 =	sld [smem:$0x3FB0]  }
0x29: {  	s4 =	sld [smem:$0x3FB2]  }
0x2a: {  	p0 =	seq.s32 s5, $0x0;
	s5 =	sld [smem:$0x3FB3]  }
0x2b: {  	s6 =	sld [smem:$0x3FB4]  }
0x2c: {  	s7 =	sld [smem:$0x3FB5]  }
0x2d: {  	s3 =	simm.s32 $0x108;
	s8 =	sld [smem:$0x3FB6]  }
0x2e: {  	s3 =	simm.s32 @!p0 $0x1082;
	s9 =	sld [smem:$0x3FB7]  }
0x2f: {  	lr =	sadd.s32 s0, s3;
	s0 =	sld [smem:$0x3FAE]  }
0x30: {  	s3 =	sld [smem:$0x3FB1]  }
0x31: {  	[smem:$0x3FBA] =	sst s10  }
0x32: {  	s10 =	sld [smem:$0x3FB8];
	_ =	sdelay $0x3  }
0x33: {  	p0 =	seq.s32 s10, $0x1;
	s10 =	sld [smem:$0x3FBA];
	_ =	sdelay $0x3  }
0x34: {  	[smem:$0x3FBA] =	sst s10  }
0x35: {  	s10 =	sld [smem:$0x3FB9];
	_ =	sdelay $0x3  }
0x36: {  	p1 =	seq.s32 s10, $0x1;
	s10 =	sld [smem:$0x3FBA];
	_ =	sdelay $0x3  }
0x37: {  	[smem:$0x3FBA] =	sst s10  }
0x38: {  	s10 =	sld [smem:$0x3FBB]  }
0x39: {  	_ = 	snop;
	(pc) =	sbr.ind lr, $3  }
0x3a: {  	_ = 	snop  }
0x3b: {  	_ = 	snop  }
0x3c: {  	p2 =	seq.s32 s10, $0x1;
	s10 =	sld [smem:$0x3FBA]  }
0x3d: {  	_ =	shalt  }
0x3e: {  	_ =	shalt  }
0x3f: {  	_ =	shalt  }
0x40: {  	_ =	shalt  }
0x41: {  	_ =	shalt  }
0x42: {  	_ =	shalt  }
0x43: {  	_ =	shalt  }
0x44: {  	_ =	shalt  }
0x45: {  	_ =	shalt  }
0x46: {  	_ =	shalt  }
0x47: {  	_ =	shalt  }
0x48: {  	_ =	shalt  }
0x49: {  	_ =	shalt  }
0x4a: {  	_ =	shalt  }
0x4b: {  	_ =	shalt  }
0x4c: {  	_ =	shalt  }
0x4d: {  	_ =	shalt  }
0x4e: {  	_ =	shalt  }
0x4f: {  	_ =	shalt  }
0x50: {  	_ =	shalt  }
0x51: {  	_ =	shalt  }
0x52: {  	_ =	shalt  }
0x53: {  	_ =	shalt  }
0x54: {  	_ =	shalt  }
0x55: {  	_ =	shalt  }
0x56: {  	_ =	shalt  }
0x57: {  	_ =	shalt  }
0x58: {  	_ =	shalt  }
0x59: {  	_ =	shalt  }
0x5a: {  	_ =	shalt  }
0x5b: {  	_ =	shalt  }
0x5c: {  	_ =	shalt  }
0x5d: {  	_ =	shalt  }
0x5e: {  	_ =	shalt  }
0x5f: {  	_ =	shalt  }
0x60: {  	_ =	shalt  }
0x61: {  	_ =	shalt  }
0x62: {  	_ =	shalt  }
0x63: {  	_ =	shalt  }
0x64: {  	_ =	shalt  }
0x65: {  	_ =	shalt  }
0x66: {  	_ =	shalt  }
0x67: {  	_ =	shalt  }
0x68: {  	_ =	shalt  }
0x69: {  	_ =	shalt  }
0x6a: {  	_ =	shalt  }
0x6b: {  	_ =	shalt  }
0x6c: {  	_ =	shalt  }
0x6d: {  	_ =	shalt  }
0x6e: {  	_ =	shalt  }
0x6f: {  	_ =	shalt  }
0x70: {  	_ =	shalt  }
0x71: {  	_ =	shalt  }
0x72: {  	_ =	shalt  }
0x73: {  	_ =	shalt  }
0x74: {  	_ =	shalt  }
0x75: {  	_ =	shalt  }
0x76: {  	_ =	shalt  }
0x77: {  	_ =	shalt  }
0x78: {  	_ =	shalt  }
0x79: {  	_ =	shalt  }
0x7a: {  	_ =	shalt  }
0x7b: {  	_ =	shalt  }
0x7c: {  	_ =	shalt  }
0x7d: {  	_ =	shalt  }
0x7e: {  	_ =	shalt  }
0x7f: {  	_ =	shalt  }
0x80: {  	_ =	shalt  }
0x81: {  	_ =	shalt  }
0x82: {  	_ =	shalt  }
0x83: {  	_ =	shalt  }
0x84: {  	_ =	shalt  }
0x85: {  	_ =	shalt  }
0x86: {  	_ =	shalt  }
0x87: {  	_ =	shalt  }
.Lfunc_end0:
.L_simem_size_0:
called_computation.1_lowered:
.L_overlay_start_0:
0x88: {  	s2 =	sld [smem:$0x3FD9]  }
0x89: {  	s3 =	sld [smem:$0x3FFE];
	_ =	sdelay $0x1  }
0x8a: {  	s1 =	srdreg.scid  }
0x8b: {  	s0 =	sand.u32 $0x1, s1  }
0x8c: {  	s17 =	sshll.u32 s0, $0xA;
	s2 =	sadd.s32 s3, s2  }
0x8d: {  	s2 =	sadd.s32 s2, s17  }
0x8e: {  	[smem:$0x3FC6] =	sst s2  }
0x8f: {  	_ = 	snop  }
0x90: {  	s2 =	sld [smem:$0x3FD0];
	(tm) =	ssettm $0x1  }
0x91: {  	s18 =	sld [smem:$0x3FFB];
	_ =	sdelay $0x3  }
0x92: {  	_ =	strace s18  }
0x93: {  	s3 =	sld [smem:$0x3FFC];
	_ =	sdelay $0x3  }
0x94: {  	_ =	strace s3  }
0x95: {  	s3 =	sld [smem:$0x3FFD];
	_ =	sdelay $0x3  }
0x96: {  	_ =	strace s3  }
0x97: {  	_ =	strace $0x8FFFFFFF  }
0x98: {  	s19 =	sld [smem:$0x3FDB];
	_ =	sdelay $0x1  }
0x99: {  	s4 =	simm.s32 $_scs_section_size  }
0x9a: {  	s5 =	simm.s32 $_size__tile_overlayer_lowered;
	s6 =	simm.s32 $_tile_overlayer_lowered  }
0x9b: {  	s22 =	simm.s32 $0x1BFF;
	s21 =	sshll.u32 s6, $0x1;
	s3 =	sadd.s32 s4, s19  }
0x9c: {  	s7 =	simm.s32 $0x0;
	s20 =	sshll.u32 s5, $0x1;
	s5 =	sadd.s32 s21, s3  }
0x9d: {  	[timem:s7], [sflag:s22] =	dma.local [hbm:s5], s20  }
0x9e: {  	_ =	swait.ge [sflag:s22], s20  }
0x9f: {  	s4 =	ssub.s32 $0x0, s20;
	[sflag:s22] =	ssyncset.done $0x0  }
0xa0: {  	[sflag:s22] =	ssyncadd.s32 s4;
	_ =	sdelay $0x1  }
0xa1: {  	s23 =	simm.s32 $0x1B8B  }
0xa2: {  	_ =	swait.ge [sflag:s23], $0x1  }
0xa3: {  	[sflag:s23] =	ssyncset.done $0x0  }
0xa4: {  	s25 =	simm.s32 $0x1B8E;
	s24 =	sld [smem:$0x3FFE];
	[sflag:s23] =	ssyncadd.s32 $0xFFFFFFFF  }
0xa5: {  	s26 =	simm.s32 $execute0_lowered;
	[smem:$0x3FD2] =	sst s25  }
0xa6: {  	s5 =	sshll.u32 s26, $0x1;
	_ =	strace $0x80000046;
	[dreg:$0x1] =	wrdreg $0xFFFFFFFF  }
0xa7: {  	s28 =	simm.s32 $_size_execute0_lowered;
	s3 =	sadd.s32 s3, s5;
	[dreg:$0x0] =	wrdreg $0x0  }
0xa8: {  	s5 =	sshll.u32 s28, $0x1;
	[dreg:$0x2] =	wrdreg s3  }
0xa9: {  	[dreg:$0x3] =	wrdreg s5  }
0xaa: {  	[dreg:$0x4] =	wrdreg $0xC0  }
0xab: {  	_ =	task [dreg:s7], $0x5FFFF  }
0xac: {  	[dreg:$0x1] =	wrdreg $0xFFFFFFFF  }
0xad: {  	[dreg:$0x0] =	wrdreg $0x60  }
0xae: {  	[dreg:$0x2] =	wrdreg s24  }
0xaf: {  	[dreg:$0x3] =	wrdreg s2  }
0xb0: {  	[dreg:$0x4] =	wrdreg $0x9  }
0xb1: {  	_ =	task.clear_ibuf [dreg:s7], $0x5FFFF;
	_ =	strace $0x90000046  }
0xb2: {  	s29 =	simm.s32 $0x9;
	_ =	strace $0x80000048  }
0xb3: {  	_ =	swait.ge [sflag:s29], $0x1  }
0xb4: {  	[sflag:s29] =	ssyncadd.s32 $0xFFFFFFFF  }
0xb5: {  	_ =	strace $0x90000048  }
0xb6: {  	_ =	sfence  }
0xb7: {  	s30 =	sld [smem:$0x0];
	_ =	sdelay $0x2  }
0xb8: {  	s31 =	sshll.u32 s1, $0xD;
	s1 =	sshrl.u32 s1, $0x2  }
0xb9: {  	s3 =	sand.u32 $0x4000, s31;
	s1 =	sadd.s32 s1, s30  }
0xba: {  	s0 =	sor.u32 s3, s0;
	s1 =	sshll.u32 s1, $0x11  }
0xbb: {  	s0 =	sor.u32 s1, s0  }
0xbc: {  	s0 =	sadd.s32 $0x8F2B, s0  }
0xbd: {  	[sflag:s0] =	ssyncadd.remote.s32 $0x1  }
0xbe: {  	_ =	sfence.sel $0xFFFF  }
0xbf: {  	[dreg:$0x0] =	wrdreg $0xFFFFFFFF;
	(pc) =	sbr.abs _section_cstart, $3  }
0xc0: {  	[dreg:$0x1] =	wrdreg $0xFFFFFFFF  }
0xc1: {  	_ =	task.clear_ibuf [dreg:s7], $0x2FFFF;
	_ =	strace $0x9FFFFFFF  }
0xc2: {  	(tm) =	ssettm $0x7FFFFFFF  }
0xc3: {  	_ =	shalt  }
tec
execute0_lowered:
.L_overlay_start_1:
0x0: {  	(tag) =	ssettag $0x1  }
0x1: {  	s0 =	srdreg.scid;
	s1 =	rddreg [dreg:$0x0]  }
0x2: {  	s3 =	stileid.u32;
	s2 =	rddreg [dreg:$0x1];
	s9 =	simm.s32 $0x9  }
0x3: {  	s11 =	simm.s32 $0x68;
	s12 =	simm.s32 $0x9600;
	s13 =	simm.s32 $0x60  }
0x4: {  	s14 =	simm.s32 $0xB000;
	s15 =	simm.s32 $0xC8;
	s16 =	simm.s32 $0xCA00  }
0x5: {  	s17 =	simm.s32 $0x1;
	s18 =	simm.s32 $0xE400;
	s19 =	simm.s32 $0x2  }
0x6: {  	s20 =	simm.s32 $0x3;
	s21 =	simm.s32 $0x4;
	s22 =	simm.s32 $0x5  }
0x7: {  	s23 =	simm.s32 $0x6;
	s24 =	simm.s32 $0x7;
	s0 =	sand.u32 $0x1, s0  }
0x8: {  	s25 =	simm.s32 $0x8;
	s5 =	sshll.u32 s3, $0x7;
	s4 =	sshll.u32 s0, $0xB  }
.Ltmp0:
0x9: {  	s3 =	simm.s32 $0x0;
	s4 =	sor.u32 s5, s4;
	(pc) =	sbr.rel .LBB2_1-.Ltmp0, $4  }
0xa: {  	[smem:$0x7FF] =	sst s3;
	s0 =	ssub.s32 $0x2, s0;
	s5 =	smul.u32 $0x19, s4  }
0xb: {  	s26 =	simm.s32 $0x0;
	_ =	strace $0x80000047;
	s6 =	sshrl.u32 s0, $0x1  }
0xc: {  	s0 =	ssub.s32 s0, s6;
	s6 =	sadd.s32 $0x400, s1;
	s7 =	sadd.s32 s5, s1  }
0xd: {  	s8 =	smax.u32 s0, $0x1;
	s5 =	sadd.s32 $0xF43000, s1;
	s7 =	sadd.s32 $0xC00, s7  }
.LBB2_12:
0xe: {  	_ =	swait.ge [sflag:s22], $0x1A00  }
0xf: {  	[sflag:s22] =	ssyncset.done $0x0  }
0x10: {  	[sflag:s22] =	ssyncadd.s32 $0xFFFFE600  }
0x11: {  	_ =	swait.ge [sflag:s23], $0x1A00  }
0x12: {  	[sflag:s23] =	ssyncset.done $0x0  }
0x13: {  	s26 =	sadd.s32 $0x1, s26;
	[sflag:s23] =	ssyncadd.s32 $0xFFFFE600  }
0x14: {  	p0 =	sne.s32 s26, s8;
	_ =	swait.ge [sflag:s24], $0x1A00  }
.Ltmp1:
0x15: {  	[sflag:s24] =	ssyncset.done $0x0;
	(pc) =	sbr.rel @!p0 .LBB2_13-.Ltmp1, $4  }
0x16: {  	[sflag:s24] =	ssyncadd.s32 $0xFFFFE600  }
0x17: {  	_ =	swait.ge [sflag:s25], $0x1A00  }
0x18: {  	[sflag:s25] =	ssyncset.done $0x0  }
0x19: {  	[sflag:s25] =	ssyncadd.s32 $0xFFFFE600  }
.LBB2_1:
0x1a: {  	[tilespmem:s3], [sflag:$0x9] =	stream.linear.gather [hbm4b:s7+s3], $0x6400, $0x38;
	[tilespmem:$0xFE00] =	vst v63  }
0x1b: {  	_ =	swait.ge [sflag:s9], $0x6400  }
0x1c: {  	[sflag:s9] =	ssyncset.done $0x0  }
0x1d: {  	s0 =	simm.s32 $0x6400;
	[sflag:s9] =	ssyncadd.s32 $0xFFFF9C00  }
0x1e: {  	[tilespmem:s0], [sflag:$0x9] =	stream.linear.gather [hbm4b:s6+s3], $0x3200, $0x38;
	[tilespmem:$0xFE00] =	vst v63  }
0x1f: {  	_ =	swait.ge [sflag:s9], $0x3200  }
0x20: {  	[sflag:s9] =	ssyncset.done $0x0  }
0x21: {  	[sflag:s9] =	ssyncadd.s32 $0xFFFFCE00  }
0x22: {  	[tilespmem:s12], [sflag:$0x1] =	stream.indirect.gather [hbm4b:s5+s11], $0x40, s3, s11, $0xb8;
	[tilespmem:$0xFE00] =	vst v63  }
0x23: {  	_ = 	snop  }
0x24: {  	[tilespmem:s14], [sflag:$0x2] =	stream.indirect.gather [hbm4b:s5+s11], $0x40, s13, s11, $0xb8;
	[tilespmem:$0xFE00] =	vst v63  }
0x25: {  	s28 =	simm.s32 $0x0  }
0x26: {  	[tilespmem:s16], [sflag:$0x3] =	stream.indirect.gather [hbm4b:s5+s11], $0x40, s15, s11, $0xb8;
	[tilespmem:$0xFE00] =	vst v63  }
.LBB2_2:
0x27: {  	_ =	swait.ge [sflag:s17], $0x1A00  }
0x28: {  	[sflag:s17] =	ssyncset.done $0x0  }
0x29: {  	s1 =	simm.s32 $0x0;
	[sflag:s17] =	ssyncadd.s32 $0xFFFFE600  }
0x2a: {  	v1 =	vld [tilespmem:s1+$0x6430]  }
0x2b: {  	v2 =	vld [tilespmem:s1+$0x6400]  }
0x2c: {  	v3 =	vld [tilespmem:s1+$0x6410]  }
0x2d: {  	v0 =	vld [tilespmem:s1+$0x6420];
	_ =	sdelay $0x1  }
0x2e: {  	[tilespmem:s1+$0x9630] =	vst.add.f32.msk $0xffff, v1  }
0x2f: {  	[tilespmem:s1+$0x9600] =	vst.add.f32.msk $0xffff, v2  }
0x30: {  	s29 =	simm.s32 $0x40;
	s0 =	simm.s32 $0x200;
	[tilespmem:s1+$0x9610] =	vst.add.f32.msk $0xffff, v3  }
.LBB2_3:
0x31: {  	p0 =	sne.s32 s0, $0x6700;
	v1 =	vld [tilespmem:s29+$0x6430];
	v2 =	vmov v0  }
0x32: {  	v3 =	vld [tilespmem:s29+$0x6400]  }
0x33: {  	v4 =	vld [tilespmem:s29+$0x6410]  }
.Ltmp2:
0x34: {  	v0 =	vld [tilespmem:s29+$0x6420];
	(pc) =	sbr.rel @p0 .LBB2_3-.Ltmp2, $4  }
0x35: {  	[tilespmem:s1+$0x9620] =	vst.add.f32.msk $0xffff, v2;
	s1 =	smov.u32 s29  }
0x36: {  	[tilespmem:s1+$0x9630] =	vst.add.f32.msk $0xffff, v1  }
0x37: {  	[tilespmem:s1+$0x9600] =	vst.add.f32.msk $0xffff, v3  }
0x38: {  	s29 =	sshra.s32 s0, $0x2;
	s0 =	sadd.s32 $0x100, s0;
	[tilespmem:s1+$0x9610] =	vst.add.f32.msk $0xffff, v4  }
0x39: {  	v1 =	vld [tilespmem:s29+$0x6430]  }
0x3a: {  	v2 =	vld [tilespmem:s29+$0x6400]  }
0x3b: {  	v3 =	vld [tilespmem:s29+$0x6410]  }
0x3c: {  	v4 =	vld [tilespmem:s29+$0x6420]  }
0x3d: {  	[tilespmem:s1+$0x9620] =	vst.add.f32.msk $0xffff, v0;
	s0 =	sshll.u32 s28, $0x1  }
0x3e: {  	s31 =	sor.u32 s4, s0;
	[tilespmem:s29+$0x9630] =	vst.add.f32.msk $0xffff, v1  }
0x3f: {  	s10 =	smul.u32 $0x640, s31;
	[tilespmem:s29+$0x9600] =	vst.add.f32.msk $0xffff, v2  }
0x40: {  	p0 =	seq.s32 s28, $0x0;
	s30 =	sor.u32 $0x1, s0;
	[tilespmem:s29+$0x9610] =	vst.add.f32.msk $0xffff, v3  }
0x41: {  	s0 =	simm.s32 @!p0 $0x8;
	s1 =	sadd.s32 s2, s10;
	s10 =	smul.u32 $0x320, s30;
	[tilespmem:s29+$0x9620] =	vst.add.f32.msk $0xffff, v4  }
0x42: {  	[hbm4b:s1+s3] =	stream.linear.scatter [tilespmem:s12], [sflag:$0x5], $0x1A00, $0x38;
	[tilespmem:$0xFE00] =	vst v63  }
0x43: {  	_ =	swait.ge @!p0 [sflag:s0], $0x1A00  }
0x44: {  	s1 =	sshra.s32 s10, $0x2;
	[sflag:s0] =	ssyncset.done @!p0 $0x0  }
0x45: {  	s10 =	sadd.s32 $0x60, s1;
	[sflag:s0] =	ssyncadd.s32 @!p0 $0xFFFFE600  }
0x46: {  	[tilespmem:s18], [sflag:$0x4] =	stream.indirect.gather [hbm4b:s5+s11], $0x40, s10, s11, $0xb8;
	[tilespmem:$0xFE00] =	vst v63  }
0x47: {  	_ =	swait.ge [sflag:s19], $0x1A00  }
0x48: {  	[sflag:s19] =	ssyncset.done $0x0  }
0x49: {  	s1 =	simm.s32 $0x0;
	[sflag:s19] =	ssyncadd.s32 $0xFFFFE600  }
0x4a: {  	v1 =	vld [tilespmem:s1+$0x7C30]  }
0x4b: {  	v2 =	vld [tilespmem:s1+$0x7C00]  }
0x4c: {  	v3 =	vld [tilespmem:s1+$0x7C10]  }
0x4d: {  	v0 =	vld [tilespmem:s1+$0x7C20];
	_ =	sdelay $0x1  }
0x4e: {  	[tilespmem:s1+$0xB030] =	vst.add.f32.msk $0xffff, v1  }
0x4f: {  	[tilespmem:s1+$0xB000] =	vst.add.f32.msk $0xffff, v2  }
0x50: {  	s29 =	sshll.u32 s28, $0x2;
	s0 =	simm.s32 $0x40;
	s10 =	simm.s32 $0x200;
	[tilespmem:s1+$0xB010] =	vst.add.f32.msk $0xffff, v3  }
.LBB2_5:
0x51: {  	p0 =	sne.s32 s10, $0x6700;
	v1 =	vld [tilespmem:s0+$0x7C30];
	v2 =	vmov v0  }
0x52: {  	v3 =	vld [tilespmem:s0+$0x7C00]  }
0x53: {  	v4 =	vld [tilespmem:s0+$0x7C10]  }
.Ltmp3:
0x54: {  	v0 =	vld [tilespmem:s0+$0x7C20];
	(pc) =	sbr.rel @p0 .LBB2_5-.Ltmp3, $4  }
0x55: {  	[tilespmem:s1+$0xB020] =	vst.add.f32.msk $0xffff, v2;
	s1 =	smov.u32 s0  }
0x56: {  	[tilespmem:s1+$0xB030] =	vst.add.f32.msk $0xffff, v1  }
0x57: {  	[tilespmem:s1+$0xB000] =	vst.add.f32.msk $0xffff, v3  }
0x58: {  	s0 =	sshra.s32 s10, $0x2;
	s10 =	sadd.s32 $0x100, s10;
	[tilespmem:s1+$0xB010] =	vst.add.f32.msk $0xffff, v4  }
0x59: {  	v1 =	vld [tilespmem:s0+$0x7C30]  }
0x5a: {  	v2 =	vld [tilespmem:s0+$0x7C00]  }
0x5b: {  	v3 =	vld [tilespmem:s0+$0x7C10]  }
0x5c: {  	v4 =	vld [tilespmem:s0+$0x7C20]  }
0x5d: {  	[tilespmem:s1+$0xB020] =	vst.add.f32.msk $0xffff, v0;
	s10 =	smul.u32 $0x3200, s31  }
0x5e: {  	[tilespmem:s0+$0xB030] =	vst.add.f32.msk $0xffff, v1  }
0x5f: {  	s1 =	sshrl.u32 s10, $0x3;
	[tilespmem:s0+$0xB000] =	vst.add.f32.msk $0xffff, v2  }
0x60: {  	p0 =	seq.s32 s28, $0x3F;
	s1 =	sadd.s32 s2, s1;
	[tilespmem:s0+$0xB010] =	vst.add.f32.msk $0xffff, v3  }
0x61: {  	s10 =	sadd.s32 $0x300, s1;
	s1 =	simm.s32 @!p0 $0x5;
	[tilespmem:s0+$0xB020] =	vst.add.f32.msk $0xffff, v4;
	s0 =	sadd.s32 $0x4, s29  }
0x62: {  	[hbm4b:s10+s3] =	stream.linear.scatter [tilespmem:s14], [sflag:$0x6], $0x1A00, $0x38;
	[tilespmem:$0xFE00] =	vst v63  }
0x63: {  	s0 =	sshrl.u32 @!p0 s0, $0x1;
	_ =	swait.ge @!p0 [sflag:s1], $0x1A00  }
0x64: {  	s0 =	smul.u32 @!p0 $0x320, s0;
	[sflag:s1] =	ssyncset.done @!p0 $0x0  }
0x65: {  	[sflag:s1] =	ssyncadd.s32 @!p0 $0xFFFFE600  }
0x66: {  	s31 =	sshra.s32 @!p0 s0, $0x2;
	s0 =	simm.s32 @!p0 $0x68;
	s1 =	simm.s32 @!p0 $0x9600  }
0x67: {  	[tilespmem:s1], [sflag:$0x1] =	stream.indirect.gather @!p0 [hbm4b:s5+s0], $0x40, s31, s0, $0xb8;
	[tilespmem:$0xFE00] =	vst v63  }
0x68: {  	_ =	swait.ge [sflag:s20], $0x1A00  }
0x69: {  	[sflag:s20] =	ssyncset.done $0x0  }
0x6a: {  	s1 =	simm.s32 $0x0;
	[sflag:s20] =	ssyncadd.s32 $0xFFFFE600  }
0x6b: {  	v1 =	vld [tilespmem:s1+$0x6430]  }
0x6c: {  	v2 =	vld [tilespmem:s1+$0x6400]  }
0x6d: {  	v3 =	vld [tilespmem:s1+$0x6410]  }
0x6e: {  	v0 =	vld [tilespmem:s1+$0x6420];
	_ =	sdelay $0x1  }
0x6f: {  	[tilespmem:s1+$0xCA30] =	vst.add.f32.msk $0xffff, v1  }
0x70: {  	[tilespmem:s1+$0xCA00] =	vst.add.f32.msk $0xffff, v2  }
0x71: {  	s10 =	simm.s32 $0x200;
	s0 =	simm.s32 $0x40;
	[tilespmem:s1+$0xCA10] =	vst.add.f32.msk $0xffff, v3  }
.LBB2_7:
0x72: {  	p1 =	sne.s32 s10, $0x6700;
	v1 =	vld [tilespmem:s0+$0x6430];
	v2 =	vmov v0  }
0x73: {  	v3 =	vld [tilespmem:s0+$0x6400]  }
0x74: {  	v4 =	vld [tilespmem:s0+$0x6410]  }
.Ltmp4:
0x75: {  	v0 =	vld [tilespmem:s0+$0x6420];
	(pc) =	sbr.rel @p1 .LBB2_7-.Ltmp4, $4  }
0x76: {  	[tilespmem:s1+$0xCA20] =	vst.add.f32.msk $0xffff, v2;
	s1 =	smov.u32 s0  }
0x77: {  	[tilespmem:s1+$0xCA30] =	vst.add.f32.msk $0xffff, v1  }
0x78: {  	[tilespmem:s1+$0xCA00] =	vst.add.f32.msk $0xffff, v3  }
0x79: {  	s0 =	sshra.s32 s10, $0x2;
	s10 =	sadd.s32 $0x100, s10;
	[tilespmem:s1+$0xCA10] =	vst.add.f32.msk $0xffff, v4  }
0x7a: {  	v1 =	vld [tilespmem:s0+$0x6430]  }
0x7b: {  	v2 =	vld [tilespmem:s0+$0x6400]  }
0x7c: {  	v3 =	vld [tilespmem:s0+$0x6410]  }
0x7d: {  	v4 =	vld [tilespmem:s0+$0x6420]  }
0x7e: {  	[tilespmem:s1+$0xCA20] =	vst.add.f32.msk $0xffff, v0  }
0x7f: {  	s30 =	sadd.s32 s4, s30;
	[tilespmem:s0+$0xCA30] =	vst.add.f32.msk $0xffff, v1  }
0x80: {  	s10 =	smul.u32 $0x640, s30;
	[tilespmem:s0+$0xCA00] =	vst.add.f32.msk $0xffff, v2  }
0x81: {  	[tilespmem:s0+$0xCA10] =	vst.add.f32.msk $0xffff, v3  }
0x82: {  	s10 =	sadd.s32 s2, s10;
	[tilespmem:s0+$0xCA20] =	vst.add.f32.msk $0xffff, v4;
	s0 =	simm.s32 @!p0 $0x6  }
0x83: {  	[hbm4b:s10+s3] =	stream.linear.scatter [tilespmem:s16], [sflag:$0x7], $0x1A00, $0x38;
	[tilespmem:$0xFE00] =	vst v63  }
0x84: {  	_ =	swait.ge @!p0 [sflag:s0], $0x1A00  }
0x85: {  	s1 =	simm.s32 @!p0 $0x68;
	[sflag:s0] =	ssyncset.done @!p0 $0x0  }
0x86: {  	s10 =	simm.s32 @!p0 $0xB000;
	[sflag:s0] =	ssyncadd.s32 @!p0 $0xFFFFE600;
	s0 =	sadd.s32 @!p0 $0x60, s31  }
0x87: {  	[tilespmem:s10], [sflag:$0x2] =	stream.indirect.gather @!p0 [hbm4b:s5+s1], $0x40, s0, s1, $0xb8;
	[tilespmem:$0xFE00] =	vst v63  }
0x88: {  	_ =	swait.ge [sflag:s21], $0x1A00  }
0x89: {  	[sflag:s21] =	ssyncset.done $0x0  }
0x8a: {  	s1 =	simm.s32 $0x0;
	[sflag:s21] =	ssyncadd.s32 $0xFFFFE600  }
0x8b: {  	v1 =	vld [tilespmem:s1+$0x7C30]  }
0x8c: {  	v2 =	vld [tilespmem:s1+$0x7C00]  }
0x8d: {  	v3 =	vld [tilespmem:s1+$0x7C10]  }
0x8e: {  	v0 =	vld [tilespmem:s1+$0x7C20];
	_ =	sdelay $0x1  }
0x8f: {  	[tilespmem:s1+$0xE430] =	vst.add.f32.msk $0xffff, v1  }
0x90: {  	[tilespmem:s1+$0xE400] =	vst.add.f32.msk $0xffff, v2  }
0x91: {  	s0 =	simm.s32 $0x40;
	s10 =	simm.s32 $0x200;
	[tilespmem:s1+$0xE410] =	vst.add.f32.msk $0xffff, v3  }
.LBB2_9:
0x92: {  	p1 =	sne.s32 s10, $0x6700;
	v1 =	vld [tilespmem:s0+$0x7C30];
	v2 =	vmov v0  }
0x93: {  	v3 =	vld [tilespmem:s0+$0x7C00]  }
0x94: {  	v4 =	vld [tilespmem:s0+$0x7C10]  }
.Ltmp5:
0x95: {  	v0 =	vld [tilespmem:s0+$0x7C20];
	(pc) =	sbr.rel @p1 .LBB2_9-.Ltmp5, $4  }
0x96: {  	[tilespmem:s1+$0xE420] =	vst.add.f32.msk $0xffff, v2;
	s1 =	smov.u32 s0  }
0x97: {  	[tilespmem:s1+$0xE430] =	vst.add.f32.msk $0xffff, v1  }
0x98: {  	[tilespmem:s1+$0xE400] =	vst.add.f32.msk $0xffff, v3  }
0x99: {  	s0 =	sshra.s32 s10, $0x2;
	s10 =	sadd.s32 $0x100, s10;
	[tilespmem:s1+$0xE410] =	vst.add.f32.msk $0xffff, v4  }
0x9a: {  	v1 =	vld [tilespmem:s0+$0x7C30]  }
0x9b: {  	v2 =	vld [tilespmem:s0+$0x7C00]  }
0x9c: {  	v3 =	vld [tilespmem:s0+$0x7C10]  }
0x9d: {  	v4 =	vld [tilespmem:s0+$0x7C20]  }
0x9e: {  	[tilespmem:s1+$0xE420] =	vst.add.f32.msk $0xffff, v0;
	s30 =	smul.u32 $0x3200, s30  }
.Ltmp6:
0x9f: {  	[tilespmem:s0+$0xE430] =	vst.add.f32.msk $0xffff, v1;
	(pc) =	sbr.rel @p0 .LBB2_12-.Ltmp6, $4  }
0xa0: {  	s1 =	sshrl.u32 s30, $0x3;
	[tilespmem:s0+$0xE400] =	vst.add.f32.msk $0xffff, v2  }
0xa1: {  	s1 =	sadd.s32 s2, s1;
	[tilespmem:s0+$0xE410] =	vst.add.f32.msk $0xffff, v3  }
0xa2: {  	s31 =	sadd.s32 $0x300, s1;
	[tilespmem:s0+$0xE420] =	vst.add.f32.msk $0xffff, v4  }
0xa3: {  	[hbm4b:s31+s3] =	stream.linear.scatter [tilespmem:s18], [sflag:$0x8], $0x1A00, $0x38;
	[tilespmem:$0xFE00] =	vst v63  }
0xa4: {  	s0 =	sadd.s32 $0x6, s29  }
.Ltmp7:
0xa5: {  	s0 =	sshrl.u32 s0, $0x1;
	(pc) =	sbr.rel .LBB2_2-.Ltmp7, $4  }
0xa6: {  	_ =	swait.ge [sflag:s24], $0x1A00;
	s0 =	smul.u32 $0x320, s0  }
0xa7: {  	[sflag:s24] =	ssyncset.done $0x0  }
0xa8: {  	s28 =	sadd.s32 $0x1, s28;
	[sflag:s24] =	ssyncadd.s32 $0xFFFFE600;
	s0 =	sshra.s32 s0, $0x2  }
0xa9: {  	[tilespmem:s16], [sflag:$0x3] =	stream.indirect.gather [hbm4b:s5+s11], $0x40, s0, s11, $0xb8;
	[tilespmem:$0xFE00] =	vst v63  }
.LBB2_13:
0xaa: {  	_ =	sfence.sel $0x180000  }
0xab: {  	[bflag:$0x0] =	sbarrier.arrive $0xFFFF  }
0xac: {  	_ =	strace $0x90000047  }
0xad: {  	s0 =	stileid.u32;
	[bflag:$0x2] =	sbarrier.arrive $0xFFFF  }
0xae: {  	p0 =	sne.s32 s0, $0x0;
	s0 =	rddreg [dreg:$0x2]  }
0xaf: {  	s0 =	sadd.s32 @!p0 $0x100000, s0  }
0xb0: {  	[sflag:s0] =	ssyncadd.tile.s32 @!p0 $0x1;
	_ =	shalt  }
.Lfunc_end2:
_tile_overlayer_lowered:
.L_overlay_start_2:
0xb1: {  	(tag) =	ssettag $0x2  }
0xb2: {  	s0 =	rddreg [dreg:$0x0];
	s2 =	stileid.u32  }
0xb3: {  	s1 =	rddreg [dreg:$0x1];
	p0 =	sne.s32 s2, $0x0  }
0xb4: {  	s3 =	rddreg [dreg:$0x2];
	[bflag:$0x3] =	sbarrier.arrive $0xFFFF;
	s2 =	simm.s32 @!p0 $0x1C09  }
0xb5: {  	[timem:s3], [sflag:s2] =	dma.local @!p0 [hbm:s0], s1  }
0xb6: {  	s0 =	simm.s32 @!p0 $0x9  }
0xb7: {  	_ =	swait.ge @!p0 [sflag:s0], s1  }
0xb8: {  	s1 =	ssub.s32 @!p0 $0x0, s1;
	[sflag:s0] =	ssyncset.done @!p0 $0x0  }
0xb9: {  	[sflag:s0] =	ssyncadd.s32 @!p0 s1  }
0xba: {  	[bflag:$0x3] =	sbarrier.arrive $0xFFFF  }
0xbb: {  	_ =	shalt  }

// kernel: sparse-core-data-format-call.cloned.1.call-start
scs
called_computation_lowered:
.L_overlay_start_0:
0x0: {  	s2 =	sld [smem:$0x3FD9]  }
0x1: {  	s3 =	sld [smem:$0x3FFE];
	_ =	sdelay $0x1  }
0x2: {  	s1 =	srdreg.scid  }
0x3: {  	s0 =	sand.u32 $0x1, s1  }
0x4: {  	s18 =	sshll.u32 s0, $0xA;
	s2 =	sadd.s32 s3, s2  }
0x5: {  	s2 =	sadd.s32 s2, s18  }
0x6: {  	[smem:$0x3FC6] =	sst s2  }
0x7: {  	_ = 	snop  }
0x8: {  	s2 =	sld [smem:$0x3FD0];
	(tm) =	ssettm $0x1  }
0x9: {  	s19 =	sld [smem:$0x3FFB];
	_ =	sdelay $0x3  }
0xa: {  	_ =	strace s19  }
0xb: {  	s3 =	sld [smem:$0x3FFC];
	_ =	sdelay $0x3  }
0xc: {  	_ =	strace s3  }
0xd: {  	s3 =	sld [smem:$0x3FFD];
	_ =	sdelay $0x3  }
0xe: {  	_ =	strace s3  }
0xf: {  	_ =	strace $0x8FFFFFFF  }
0x10: {  	s20 =	sld [smem:$0x3FDB];
	_ =	sdelay $0x1  }
0x11: {  	s4 =	simm.s32 $_scs_section_size  }
0x12: {  	s5 =	simm.s32 $_size__tile_overlayer_lowered;
	s6 =	simm.s32 $_tile_overlayer_lowered  }
0x13: {  	s23 =	simm.s32 $0x1BFF;
	s22 =	sshll.u32 s6, $0x1;
	s3 =	sadd.s32 s4, s20  }
0x14: {  	s7 =	simm.s32 $0x0;
	s21 =	sshll.u32 s5, $0x1;
	s5 =	sadd.s32 s22, s3  }
0x15: {  	[timem:s7], [sflag:s23] =	dma.local [hbm:s5], s21  }
0x16: {  	_ =	swait.ge [sflag:s23], s21  }
0x17: {  	s4 =	ssub.s32 $0x0, s21;
	[sflag:s23] =	ssyncset.done $0x0  }
0x18: {  	[sflag:s23] =	ssyncadd.s32 s4;
	_ =	sdelay $0x1  }
0x19: {  	s24 =	simm.s32 $0x1B8B  }
0x1a: {  	_ =	swait.ge [sflag:s24], $0x1  }
0x1b: {  	[sflag:s24] =	ssyncset.done $0x0  }
0x1c: {  	s26 =	simm.s32 $0x1B8E;
	s25 =	sld [smem:$0x3FFE];
	[sflag:s24] =	ssyncadd.s32 $0xFFFFFFFF  }
0x1d: {  	s27 =	simm.s32 $execute0_lowered;
	[smem:$0x3FD2] =	sst s26  }
0x1e: {  	s5 =	sshll.u32 s27, $0x1;
	_ =	strace $0x80000049;
	[dreg:$0x1] =	wrdreg $0xFFFFFFFF  }
0x1f: {  	s28 =	simm.s32 $_size_execute0_lowered;
	s3 =	sadd.s32 s3, s5;
	[dreg:$0x0] =	wrdreg $0x0  }
0x20: {  	s5 =	sshll.u32 s28, $0x1;
	[dreg:$0x2] =	wrdreg s3  }
0x21: {  	[dreg:$0x3] =	wrdreg s5  }
0x22: {  	[dreg:$0x4] =	wrdreg $0xC0  }
0x23: {  	_ =	task [dreg:s7], $0x5FFFF  }
0x24: {  	[dreg:$0x1] =	wrdreg $0xFFFFFFFF  }
0x25: {  	[dreg:$0x0] =	wrdreg $0x60  }
0x26: {  	[dreg:$0x2] =	wrdreg s25  }
0x27: {  	[dreg:$0x3] =	wrdreg s2  }
0x28: {  	[dreg:$0x4] =	wrdreg $0x9  }
0x29: {  	_ =	task.clear_ibuf [dreg:s7], $0x5FFFF;
	_ =	strace $0x90000049  }
0x2a: {  	s29 =	simm.s32 $0x9;
	_ =	strace $0x8000004B  }
0x2b: {  	_ =	swait.ge [sflag:s29], $0x1  }
0x2c: {  	[sflag:s29] =	ssyncadd.s32 $0xFFFFFFFF  }
0x2d: {  	_ =	strace $0x9000004B  }
0x2e: {  	_ =	sfence  }
0x2f: {  	s30 =	sld [smem:$0x0];
	_ =	sdelay $0x2  }
0x30: {  	s31 =	sshll.u32 s1, $0xD;
	s1 =	sshrl.u32 s1, $0x2  }
0x31: {  	s3 =	sand.u32 $0x4000, s31;
	s1 =	sadd.s32 s1, s30  }
0x32: {  	s0 =	sor.u32 s3, s0;
	s1 =	sshll.u32 s1, $0x11  }
0x33: {  	s0 =	sor.u32 s1, s0  }
0x34: {  	s0 =	sadd.s32 $0x8F2B, s0  }
0x35: {  	[sflag:s0] =	ssyncadd.remote.s32 $0x1  }
0x36: {  	_ =	sfence.sel $0xFFFF  }
0x37: {  	[dreg:$0x0] =	wrdreg $0xFFFFFFFF;
	(pc) =	sbr.abs _section_cstart, $3  }
0x38: {  	[dreg:$0x1] =	wrdreg $0xFFFFFFFF  }
0x39: {  	_ =	task.clear_ibuf [dreg:s7], $0x2FFFF;
	_ =	strace $0x9FFFFFFF  }
0x3a: {  	(tm) =	ssettm $0x7FFFFFFF  }
0x3b: {  	_ =	shalt  }
tec
execute0_lowered:
.L_overlay_start_1:
0x0: {  	(tag) =	ssettag $0x1  }
0x1: {  	s0 =	srdreg.scid  }
0x2: {  	s1 =	sshll.u32 s0, $0x4  }
0x3: {  	s0 =	stileid.u32;
	s1 =	sand.u32 $0x10, s1  }
0x4: {  	s1 =	sor.u32 s0, s1  }
0x5: {  	s6 =	rddreg [dreg:$0x0];
	s4 =	simm.s32 $0x1;
	s2 =	sshll.u32 s1, $0x7  }
0x6: {  	s7 =	simm.s32 $0x2;
	s12 =	simm.s32 $0x0;
	s1 =	ssub.s32 $0x1000, s2  }
0x7: {  	s8 =	simm.s32 $0x8000;
	s13 =	simm.s32 $0x0;
	s3 =	sand.u32 $0xF80, s1  }
0x8: {  	s9 =	simm.s32 $0x0;
	s5 =	sshrl.u32 s1, $0xC;
	p0 =	sne.s32 s3, $0x0  }
.Ltmp0:
0x9: {  	s1 =	rddreg [dreg:$0x2];
	s4 =	simm.s32 @!p0 $0x0;
	(pc) =	sbr.rel .LBB1_1-.Ltmp0, $4  }
0xa: {  	s11 =	simm.s32 $0x0;
	s3 =	rddreg [dreg:$0x1];
	s5 =	sadd.s32 s4, s5  }
0xb: {  	_ =	strace $0x8000004A;
	s4 =	simm.s32 $0x1;
	s5 =	smul.u32 $0xC8, s5  }
0xc: {  	s6 =	sadd.s32 $0x400, s6;
	s10 =	smov.u32 s2;
	[sflag:s4] =	ssyncpa.u1 $0x0  }
0xd: {  	p0 =	por $0x0, $0x0;
	[sflag:s7] =	ssyncpa.u1 $0x0;
	s7 =	sor.u32 $0x1, s5  }
.LBB1_4:
0xe: {  	s16 =	sshll.u32 s13, $0x3;
	s17 =	sand.u32 $0x78, s13  }
0xf: {  	s30 =	sand.u32 $0x7E00, s13;
	s12 =	sshll.u32 s12, $0xF;
	s16 =	sand.u32 $0xC00, s16  }
0x10: {  	[tilespmem:s15+$0x810 ss:$0x81] =	vst.msk $0xffff, v2;
	s31 =	sand.u32 $0x7, s13;
	s16 =	sor.u32 s17, s16;
	s17 =	sadd.s32 s3, s30  }
0x11: {  	[tilespmem:s15+$0x1020 ss:$0x81] =	vst.msk $0xffff, v0;
	s13 =	sshll.u32 s31, $0x12;
	s12 =	sadd.s32 s12, s17;
	s16 =	sshrl.u32 s16, $0x3  }
0x12: {  	[tilespmem:s15+$0x0 ss:$0x81] =	vst.msk $0xffff, v1;
	s13 =	sor.u32 $0x400, s13;
	s12 =	sadd.s32 s16, s12  }
0x13: {  	[hbm4b:s12+s13] =	stream.strided.scatter [tilespmem:s14], [sflag:$0x2], $0x2000, s8, s13, $0x20;
	[tilespmem:$0x8080] =	vst v63  }
.LBB1_5:
0x14: {  	s14 =	sadd.s32 $0x1, s9  }
0x15: {  	s12 =	sadd.s32 $0x1000, s10;
	s16 =	smov.u32 s10;
	p2 =	sgt.s32 s14, $0xC7  }
0x16: {  	s16 =	smov.u32 @p2 s12  }
0x17: {  	s14 =	simm.s32 @p2 $0x0;
	p2 =	sgt.s32 s16, $0xFFF  }
0x18: {  	s16 =	smov.u32 @p2 s2;
	p2 =	sne.s32 s11, s7  }
.Ltmp1:
0x19: {  	p1 =	slt.u32 s11, $0x2;
	(pc) =	sbr.rel @!p2 .LBB1_6-.Ltmp1, $4  }
0x1a: {  	s15 =	simm.s32 @!p1 $0x2  }
0x1b: {  	s13 =	smov.u32 s10;
	p0 =	por !p0, !p0;
	_ =	swait.ge @!p1 [sflag:s15], $0x2000  }
0x1c: {  	s12 =	smov.u32 s9;
	[sflag:s15] =	ssyncset.done @!p1 $0x0;
	s9 =	smov.u32 s14  }
0x1d: {  	s11 =	sadd.s32 $0x1, s11;
	[sflag:s15] =	ssyncadd.s32 @!p1 $0xFFFFE000;
	s10 =	smov.u32 s16  }
.LBB1_1:
0x1e: {  	p1 =	sge.u32 s11, s5  }
0x1f: {  	s14 =	sand.u32 @!p1 $0x1FFFFFF, s9  }
0x20: {  	s15 =	smulhi.u32 @!p1 $0x147AE15, s14;
	_ =	sdelay $0x1  }
0x21: {  	s15 =	smul.u32 @!p1 $0xC8, s15  }
0x22: {  	s16 =	sxor.u32 @!p1 $0xFFFFFFFF, s11;
	s17 =	smul.u32 @!p1 $0xC80, s10  }
0x23: {  	s31 =	sadd.s32 $0xFFFFFFFF, s11;
	s16 =	sshll.u32 @!p1 s16, $0xD;
	s14 =	ssub.s32 @!p1 s14, s15  }
0x24: {  	s15 =	sand.u32 @!p1 $0x2000, s16;
	s16 =	sadd.s32 @!p1 s6, s17;
	s14 =	sshll.u32 @!p1 s14, $0x4  }
0x25: {  	s17 =	simm.s32 @!p1 $0x6400;
	s14 =	sadd.s32 @!p1 s14, s16;
	s16 =	simm.s32 @!p1 $0x40  }
0x26: {  	[tilespmem:s15], [sflag:$0x1] =	stream.strided.gather @!p1 [hbm4b:s14+s16], $0x2000, s17, s16, $0x38;
	[tilespmem:$0x8080] =	vst v63  }
0x27: {  	p1 =	sge.u32 s31, s5  }
.Ltmp2:
0x28: {  	_ = 	snop;
	(pc) =	sbr.rel @p1 .LBB1_5-.Ltmp2, $1  }
0x29: {  	_ =	sdelay $0x3  }
0x2a: {  	s14 =	simm.s32 $0x1  }
0x2b: {  	_ =	swait.ge [sflag:s4], $0x2000;
	s14 =	simm.s32 @!p0 $0x0  }
0x2c: {  	[sflag:s4] =	ssyncset.done $0x0;
	s15 =	sshll.u32 s14, $0xD  }
0x2d: {  	[sflag:s4] =	ssyncadd.s32 $0xFFFFE000;
	s18 =	sor.u32 $0x20, s15  }
0x2e: {  	s14 =	smul.u32 $0x8100, s14;
	v3 =	vld [tilespmem:s18+$0x10]  }
0x2f: {  	s30 =	sand.u32 $0x1, s11;
	v2 =	vld [tilespmem:s18+$0xFFFFFFF0]  }
0x30: {  	s15 =	smul.u32 $0x8100, s30;
	s14 =	sshrl.u32 s14, $0x2;
	v0 =	vld [tilespmem:s18+$0x0]  }
0x31: {  	v1 =	vld [tilespmem:s18+$0xFFFFFFE0];
	s16 =	sor.u32 $0x4000, s14  }
0x32: {  	s31 =	sshrl.u32 s15, $0x2;
	s15 =	sadd.s32 $0x0, s16  }
0x33: {  	s17 =	simm.s32 $0x4;
	s18 =	sadd.s32 $0x40, s18;
	s14 =	sor.u32 $0x4000, s31;
	[tilespmem:s15+$0x1830 ss:$0x81] =	vst.msk $0xffff, v3  }
.LBB1_3:
0x34: {  	v3 =	vld [tilespmem:s18+$0x10];
	p1 =	sne.s32 s17, $0x1FC;
	[tilespmem:s15+$0x810 ss:$0x81] =	vst.msk $0xffff, v2;
	s19 =	smov.u32 s17;
	s17 =	sadd.s32 $0x4, s17  }
.Ltmp3:
0x35: {  	v2 =	vld [tilespmem:s18+$0xFFFFFFF0];
	[tilespmem:s15+$0x1020 ss:$0x81] =	vst.msk $0xffff, v0;
	(pc) =	sbr.rel @p1 .LBB1_3-.Ltmp3, $4  }
0x36: {  	v0 =	vld [tilespmem:s18+$0x0];
	[tilespmem:s15+$0x0 ss:$0x81] =	vst.msk $0xffff, v1  }
0x37: {  	s15 =	sshra.s32 s19, $0x2;
	v1 =	vld [tilespmem:s18+$0xFFFFFFE0]  }
0x38: {  	s15 =	sadd.s32 s15, s16  }
0x39: {  	s18 =	sadd.s32 $0x40, s18;
	[tilespmem:s15+$0x1830 ss:$0x81] =	vst.msk $0xffff, v3  }
.Ltmp4:
0x3a: {  	_ = 	snop;
	(pc) =	sbr.rel .LBB1_4-.Ltmp4, $1  }
0x3b: {  	_ =	sdelay $0x3  }
.LBB1_6:
0x3c: {  	_ =	sfence.sel $0x180000  }
0x3d: {  	s2 =	simm.s32 $0x1;
	[bflag:$0x0] =	sbarrier.arrive $0xFFFF  }
0x3e: {  	s31 =	simm.s32 $0x2;
	[sflag:s2] =	ssyncpa.u1 $0x1  }
0x3f: {  	[sflag:s31] =	ssyncpa.u1 $0x1  }
0x40: {  	p0 =	sne.s32 s0, $0x0;
	_ =	strace $0x9000004A  }
0x41: {  	s0 =	sadd.s32 @!p0 $0x100000, s1;
	[bflag:$0x2] =	sbarrier.arrive $0xFFFF  }
0x42: {  	[sflag:s0] =	ssyncadd.tile.s32 @!p0 $0x1;
	_ =	shalt  }
.Lfunc_end1:
_tile_overlayer_lowered:
.L_overlay_start_2:
0x43: {  	(tag) =	ssettag $0x2  }
0x44: {  	s0 =	rddreg [dreg:$0x0];
	s2 =	stileid.u32  }
0x45: {  	s1 =	rddreg [dreg:$0x1];
	p0 =	sne.s32 s2, $0x0  }
0x46: {  	s3 =	rddreg [dreg:$0x2];
	[bflag:$0x3] =	sbarrier.arrive $0xFFFF;
	s2 =	simm.s32 @!p0 $0x1C01  }
0x47: {  	[timem:s3], [sflag:s2] =	dma.local @!p0 [hbm:s0], s1  }
0x48: {  	s0 =	simm.s32 @!p0 $0x1  }
0x49: {  	_ =	swait.ge @!p0 [sflag:s0], s1  }
0x4a: {  	s1 =	ssub.s32 @!p0 $0x0, s1;
	[sflag:s0] =	ssyncset.done @!p0 $0x0  }
0x4b: {  	[sflag:s0] =	ssyncadd.s32 @!p0 s1  }
0x4c: {  	[bflag:$0x3] =	sbarrier.arrive $0xFFFF  }
0x4d: {  	_ =	shalt  }

</sc_bundles>
